<compile_context>
chip_gen: v7x
topology: tpu7x:2x2x1
jax: 0.10.2.dev20260603
libtpu: 0.0.44.dev20260713+nightly
codegen_flags: <defaults>
</compile_context>

<pallas_src>
import jax
import jax.numpy as jnp
from jax import lax
from jax.experimental import pallas as pl
from jax.experimental.pallas import tpu as pltpu
from jax.experimental.pallas import tpu_sc as plsc

MAX_LEN = 2048
D_MODEL = 4096
BATCH = 4
NC = 2
NS = 16
NW = NC * NS
POS_PER_W = MAX_LEN // NW
LANES = 16
NCHUNK = D_MODEL // LANES
NPHASE = 4
UNROLL = 8


def _body(in_hbm, tab_hbm, out_hbm, *scratch):
    rb = scratch[0:NPHASE]
    tb = scratch[NPHASE:2 * NPHASE]
    si = scratch[2 * NPHASE:3 * NPHASE]
    st = scratch[3 * NPHASE:4 * NPHASE]
    so = scratch[4 * NPHASE:5 * NPHASE]

    wid = lax.axis_index("s") * NC + lax.axis_index("c")
    l_base = wid * POS_PER_W

    def start_reads(g, p):
        l = l_base + g
        pltpu.async_copy(in_hbm.at[:, l], rb[p], si[p])
        pltpu.async_copy(tab_hbm.at[l], tb[p], st[p])

    def wait_read(p):
        pltpu.make_async_copy(in_hbm.at[:, 0], rb[p], si[p]).wait()
        pltpu.make_async_copy(tab_hbm.at[0], tb[p], st[p]).wait()

    def wait_write(p):
        pltpu.make_async_copy(rb[p], out_hbm.at[:, 0], so[p]).wait()

    for g in range(2):
        start_reads(g, g)

    def group_body(gg, carry):
        for p in range(NPHASE):
            g = gg * NPHASE + p
            pn = (p + 2) % NPHASE

            @pl.when(g + 2 < POS_PER_W)
            def _():
                @pl.when(g >= 2)
                def _():
                    wait_write(pn)
                start_reads(g + 2, pn)

            wait_read(p)

            @plsc.parallel_loop(0, NCHUNK, 1, unroll=UNROLL)
            def chunk_step(c, _p=p):
                o = c * LANES
                t = tb[_p][pl.ds(o, LANES)]
                for b in range(BATCH):
                    rb[_p][b, pl.ds(o, LANES)] = (
                        rb[_p][b, pl.ds(o, LANES)] + t
                    )

            pltpu.async_copy(rb[p], out_hbm.at[:, l_base + g], so[p])
        return carry

    lax.fori_loop(0, POS_PER_W // NPHASE, group_body, 0)

    for p in range(NPHASE):
        wait_write(p)


def kernel(inputs, pos_table):
    k = pl.kernel(
        _body,
        out_type=jax.ShapeDtypeStruct((BATCH, MAX_LEN, D_MODEL), jnp.float32),
        mesh=plsc.VectorSubcoreMesh(core_axis_name="c", subcore_axis_name="s"),
        scratch_types=(
            [pltpu.VMEM((BATCH, D_MODEL), jnp.float32) for _ in range(NPHASE)]
            + [pltpu.VMEM((D_MODEL,), jnp.float32) for _ in range(NPHASE)]
            + [pltpu.SemaphoreType.DMA for _ in range(3 * NPHASE)]
        ),
    )
    return k(inputs, pos_table)

# --- scband reference (transcript-rebuilt; emitter-appended) ---
"""Pipeline reference for scband-pos-layer-42571715838588 (READ-ONLY COPY).

The authoritative reference and input builder live on the scoring server;
editing this copy changes nothing except your own understanding.
"""

import jax, jax.numpy as jnp
import numpy as np

MAX_LEN = 2048
D_MODEL = 4096
BATCH = 4

def setup_inputs(seed: int = 0) -> dict:
    key = jax.random.key(seed)
    k1, k2 = jax.random.split(key)
    inputs = jax.random.normal(k1, (BATCH, MAX_LEN, D_MODEL), dtype=jnp.float32)
    # learned positional embedding table (Embedding(max_len, d_model) weights)
    pos_table = jax.random.normal(k2, (MAX_LEN, D_MODEL), dtype=jnp.float32) * 0.02
    return {"inputs": inputs, "pos_table": pos_table}

def reference(inputs, pos_table):
    # tgt_tensor = tf.range(max_len); pos_enc_layer(tgt_tensor) -> gather rows of the table
    tgt = jnp.arange(MAX_LEN)
    pos = jnp.take(pos_table, tgt, axis=0)  # (max_len, d_model)
    out = inputs + pos[None, :, :]          # broadcast add over batch
    # Dropout in inference mode (training=False) is identity
    return out

if __name__ == "__main__":
    import jax
    _d = setup_inputs()
    print(jax.jit(kernel)(*tuple(_d.values())))

</pallas_src>

<mosaic_0001>
#map = affine_map<(d0, d1) -> (0, 0, 0)>
#map1 = affine_map<(d0, d1) -> (0, 0)>
module attributes {stable_mosaic.version = 14 : i64} {
  func.func @_body(%arg0: i32, %arg1: i32, %arg2: memref<4x2048x4096xf32, #tpu.memory_space<hbm>>, %arg3: memref<2048x4096xf32, #tpu.memory_space<hbm>>, %arg4: memref<4x2048x4096xf32, #tpu.memory_space<hbm>>, %arg5: memref<4x4096xf32, #tpu.memory_space<vmem>>, %arg6: memref<4x4096xf32, #tpu.memory_space<vmem>>, %arg7: memref<4x4096xf32, #tpu.memory_space<vmem>>, %arg8: memref<4x4096xf32, #tpu.memory_space<vmem>>, %arg9: memref<4096xf32, #tpu.memory_space<vmem>>, %arg10: memref<4096xf32, #tpu.memory_space<vmem>>, %arg11: memref<4096xf32, #tpu.memory_space<vmem>>, %arg12: memref<4096xf32, #tpu.memory_space<vmem>>, %arg13: memref<!tpu.dma_semaphore, #tpu.memory_space<semaphore_mem>>, %arg14: memref<!tpu.dma_semaphore, #tpu.memory_space<semaphore_mem>>, %arg15: memref<!tpu.dma_semaphore, #tpu.memory_space<semaphore_mem>>, %arg16: memref<!tpu.dma_semaphore, #tpu.memory_space<semaphore_mem>>, %arg17: memref<!tpu.dma_semaphore, #tpu.memory_space<semaphore_mem>>, %arg18: memref<!tpu.dma_semaphore, #tpu.memory_space<semaphore_mem>>, %arg19: memref<!tpu.dma_semaphore, #tpu.memory_space<semaphore_mem>>, %arg20: memref<!tpu.dma_semaphore, #tpu.memory_space<semaphore_mem>>, %arg21: memref<!tpu.dma_semaphore, #tpu.memory_space<semaphore_mem>>, %arg22: memref<!tpu.dma_semaphore, #tpu.memory_space<semaphore_mem>>, %arg23: memref<!tpu.dma_semaphore, #tpu.memory_space<semaphore_mem>>, %arg24: memref<!tpu.dma_semaphore, #tpu.memory_space<semaphore_mem>>) attributes {dimension_semantics = [#tpu.dimension_semantics<core_parallel>, #tpu.dimension_semantics<subcore_parallel>], iteration_bounds = array<i64: 2, 16>, scalar_prefetch = 0 : i64, scratch_operands = 20 : i64, tpu.core_type = #tpu.core_type<sc_vector_subcore>, window_params = [{transform_indices = #map}, {transform_indices = #map1}, {transform_indices = #map}]} {
    %mul3A = arith.constant 2 : i32
    %mul3A_0 = arith.muli %arg1, %mul3A : i32
    %add3A = arith.addi %mul3A_0, %arg0 : i32
    %mul3A_1 = arith.constant 64 : i32
    %mul3A_2 = arith.muli %add3A, %mul3A_1 : i32
    %add3A_3 = arith.constant 0 : i32
    %add3A_4 = arith.addi %mul3A_2, %add3A_3 : i32
    %dma_start3A = arith.constant 0 : i32
    %dma_start3A_5 = arith.constant 0 : i32
    %dma_start3A_6 = tpu.memref_slice %arg2[%dma_start3A, %add3A_4, %dma_start3A_5] : memref<4x2048x4096xf32, #tpu.memory_space<hbm>> -> memref<4x1x4096xf32, #tpu.memory_space<hbm>>
    %dma_start3A_7 = tpu.memref_squeeze %dma_start3A_6 : memref<4x1x4096xf32, #tpu.memory_space<hbm>> -> memref<4x4096xf32, #tpu.memory_space<hbm>>
    %dma_start3A_8 = arith.constant 0 : i32
    %dma_start3A_9 = arith.constant 0 : i32
    %dma_start3A_10 = tpu.memref_slice %arg2[%dma_start3A_8, %add3A_4, %dma_start3A_9] : memref<4x2048x4096xf32, #tpu.memory_space<hbm>> -> memref<4x1x4096xf32, #tpu.memory_space<hbm>>
    %dma_start3A_11 = tpu.memref_squeeze %dma_start3A_10 : memref<4x1x4096xf32, #tpu.memory_space<hbm>> -> memref<4x4096xf32, #tpu.memory_space<hbm>>
    tpu.enqueue_dma source(%dma_start3A_11 : memref<4x4096xf32, #tpu.memory_space<hbm>>) target(%arg5 : memref<4x4096xf32, #tpu.memory_space<vmem>>) target_semaphore(%arg13 : memref<!tpu.dma_semaphore, #tpu.memory_space<semaphore_mem>>)
    %dma_start3A_12 = arith.constant 0 : i32
    %dma_start3A_13 = tpu.memref_slice %arg3[%add3A_4, %dma_start3A_12] : memref<2048x4096xf32, #tpu.memory_space<hbm>> -> memref<1x4096xf32, #tpu.memory_space<hbm>>
    %dma_start3A_14 = tpu.memref_squeeze %dma_start3A_13 : memref<1x4096xf32, #tpu.memory_space<hbm>> -> memref<4096xf32, #tpu.memory_space<hbm>>
    %dma_start3A_15 = arith.constant 0 : i32
    %dma_start3A_16 = tpu.memref_slice %arg3[%add3A_4, %dma_start3A_15] : memref<2048x4096xf32, #tpu.memory_space<hbm>> -> memref<1x4096xf32, #tpu.memory_space<hbm>>
    %dma_start3A_17 = tpu.memref_squeeze %dma_start3A_16 : memref<1x4096xf32, #tpu.memory_space<hbm>> -> memref<4096xf32, #tpu.memory_space<hbm>>
    tpu.enqueue_dma source(%dma_start3A_17 : memref<4096xf32, #tpu.memory_space<hbm>>) target(%arg9 : memref<4096xf32, #tpu.memory_space<vmem>>) target_semaphore(%arg17 : memref<!tpu.dma_semaphore, #tpu.memory_space<semaphore_mem>>)
    %add3A_18 = arith.constant 1 : i32
    %add3A_19 = arith.addi %mul3A_2, %add3A_18 : i32
    %dma_start3A_20 = arith.constant 0 : i32
    %dma_start3A_21 = arith.constant 0 : i32
    %dma_start3A_22 = tpu.memref_slice %arg2[%dma_start3A_20, %add3A_19, %dma_start3A_21] : memref<4x2048x4096xf32, #tpu.memory_space<hbm>> -> memref<4x1x4096xf32, #tpu.memory_space<hbm>>
    %dma_start3A_23 = tpu.memref_squeeze %dma_start3A_22 : memref<4x1x4096xf32, #tpu.memory_space<hbm>> -> memref<4x4096xf32, #tpu.memory_space<hbm>>
    %dma_start3A_24 = arith.constant 0 : i32
    %dma_start3A_25 = arith.constant 0 : i32
    %dma_start3A_26 = tpu.memref_slice %arg2[%dma_start3A_24, %add3A_19, %dma_start3A_25] : memref<4x2048x4096xf32, #tpu.memory_space<hbm>> -> memref<4x1x4096xf32, #tpu.memory_space<hbm>>
    %dma_start3A_27 = tpu.memref_squeeze %dma_start3A_26 : memref<4x1x4096xf32, #tpu.memory_space<hbm>> -> memref<4x4096xf32, #tpu.memory_space<hbm>>
    tpu.enqueue_dma source(%dma_start3A_27 : memref<4x4096xf32, #tpu.memory_space<hbm>>) target(%arg6 : memref<4x4096xf32, #tpu.memory_space<vmem>>) target_semaphore(%arg14 : memref<!tpu.dma_semaphore, #tpu.memory_space<semaphore_mem>>)
    %dma_start3A_28 = arith.constant 0 : i32
    %dma_start3A_29 = tpu.memref_slice %arg3[%add3A_19, %dma_start3A_28] : memref<2048x4096xf32, #tpu.memory_space<hbm>> -> memref<1x4096xf32, #tpu.memory_space<hbm>>
    %dma_start3A_30 = tpu.memref_squeeze %dma_start3A_29 : memref<1x4096xf32, #tpu.memory_space<hbm>> -> memref<4096xf32, #tpu.memory_space<hbm>>
    %dma_start3A_31 = arith.constant 0 : i32
    %dma_start3A_32 = tpu.memref_slice %arg3[%add3A_19, %dma_start3A_31] : memref<2048x4096xf32, #tpu.memory_space<hbm>> -> memref<1x4096xf32, #tpu.memory_space<hbm>>
    %dma_start3A_33 = tpu.memref_squeeze %dma_start3A_32 : memref<1x4096xf32, #tpu.memory_space<hbm>> -> memref<4096xf32, #tpu.memory_space<hbm>>
    tpu.enqueue_dma source(%dma_start3A_33 : memref<4096xf32, #tpu.memory_space<hbm>>) target(%arg10 : memref<4096xf32, #tpu.memory_space<vmem>>) target_semaphore(%arg18 : memref<!tpu.dma_semaphore, #tpu.memory_space<semaphore_mem>>)
    %scan3A = arith.constant 0 : i32
    %scan3A_34 = arith.constant 0 : i32
    %scan3A_35 = arith.constant 16 : i32
    %scan3A_36 = arith.addi %scan3A_34, %scan3A_35 : i32
    %scan3A_37 = arith.constant 1 : i32
    scf.for %scan3A_74 = %scan3A_34 to %scan3A_36 step %scan3A_37  : i32 {
      %mul3A_75 = arith.constant 4 : i32
      %mul3A_76 = arith.muli %scan3A_74, %mul3A_75 : i32
      %add3A_77 = arith.constant 0 : i32
      %add3A_78 = arith.addi %mul3A_76, %add3A_77 : i32
      %add3A_79 = arith.constant 2 : i32
      %add3A_80 = arith.addi %add3A_78, %add3A_79 : i32
      %lt3A = arith.constant 64 : i32
      %lt3A_81 = arith.cmpi slt, %add3A_80, %lt3A : i32
      %convert_element_type3A = arith.extui %lt3A_81 : i1 to i32
      %cond3A = arith.constant 0 : i32
      %cond3A_82 = arith.cmpi ne, %convert_element_type3A, %cond3A : i32
      scf.if %cond3A_82 {
        %ge3A = arith.constant 2 : i32
        %ge3A_227 = arith.cmpi sge, %add3A_78, %ge3A : i32
        %convert_element_type3A_228 = arith.extui %ge3A_227 : i1 to i32
        %cond3A_229 = arith.constant 0 : i32
        %cond3A_230 = arith.cmpi ne, %convert_element_type3A_228, %cond3A_229 : i32
        scf.if %cond3A_230 {
          %dma_wait3A_248 = arith.constant 0 : i32
          %dma_wait3A_249 = arith.constant 0 : i32
          %dma_wait3A_250 = arith.constant 0 : i32
          %dma_wait3A_251 = tpu.memref_slice %arg4[%dma_wait3A_249, %dma_wait3A_248, %dma_wait3A_250] : memref<4x2048x4096xf32, #tpu.memory_space<hbm>> -> memref<4x1x4096xf32, #tpu.memory_space<hbm>>
          %dma_wait3A_252 = tpu.memref_squeeze %dma_wait3A_251 : memref<4x1x4096xf32, #tpu.memory_space<hbm>> -> memref<4x4096xf32, #tpu.memory_space<hbm>>
          %dma_wait3A_253 = arith.constant 0 : i32
          %dma_wait3A_254 = arith.constant 0 : i32
          %dma_wait3A_255 = tpu.memref_slice %arg4[%dma_wait3A_253, %dma_wait3A_248, %dma_wait3A_254] : memref<4x2048x4096xf32, #tpu.memory_space<hbm>> -> memref<4x1x4096xf32, #tpu.memory_space<hbm>>
          %dma_wait3A_256 = tpu.memref_squeeze %dma_wait3A_255 : memref<4x1x4096xf32, #tpu.memory_space<hbm>> -> memref<4x4096xf32, #tpu.memory_space<hbm>>
          tpu.wait_dma2 semaphore(%arg23 : memref<!tpu.dma_semaphore, #tpu.memory_space<semaphore_mem>>) src(%arg7 : memref<4x4096xf32, #tpu.memory_space<vmem>>) dst(%dma_wait3A_256 : memref<4x4096xf32, #tpu.memory_space<hbm>>)
        } else {
        }
        %add3A_231 = arith.constant 2 : i32
        %add3A_232 = arith.addi %add3A_78, %add3A_231 : i32
        %add3A_233 = arith.addi %mul3A_2, %add3A_232 : i32
        %dma_start3A_234 = arith.constant 0 : i32
        %dma_start3A_235 = arith.constant 0 : i32
        %dma_start3A_236 = tpu.memref_slice %arg2[%dma_start3A_234, %add3A_233, %dma_start3A_235] : memref<4x2048x4096xf32, #tpu.memory_space<hbm>> -> memref<4x1x4096xf32, #tpu.memory_space<hbm>>
        %dma_start3A_237 = tpu.memref_squeeze %dma_start3A_236 : memref<4x1x4096xf32, #tpu.memory_space<hbm>> -> memref<4x4096xf32, #tpu.memory_space<hbm>>
        %dma_start3A_238 = arith.constant 0 : i32
        %dma_start3A_239 = arith.constant 0 : i32
        %dma_start3A_240 = tpu.memref_slice %arg2[%dma_start3A_238, %add3A_233, %dma_start3A_239] : memref<4x2048x4096xf32, #tpu.memory_space<hbm>> -> memref<4x1x4096xf32, #tpu.memory_space<hbm>>
        %dma_start3A_241 = tpu.memref_squeeze %dma_start3A_240 : memref<4x1x4096xf32, #tpu.memory_space<hbm>> -> memref<4x4096xf32, #tpu.memory_space<hbm>>
        tpu.enqueue_dma source(%dma_start3A_241 : memref<4x4096xf32, #tpu.memory_space<hbm>>) target(%arg7 : memref<4x4096xf32, #tpu.memory_space<vmem>>) target_semaphore(%arg15 : memref<!tpu.dma_semaphore, #tpu.memory_space<semaphore_mem>>)
        %dma_start3A_242 = arith.constant 0 : i32
        %dma_start3A_243 = tpu.memref_slice %arg3[%add3A_233, %dma_start3A_242] : memref<2048x4096xf32, #tpu.memory_space<hbm>> -> memref<1x4096xf32, #tpu.memory_space<hbm>>
        %dma_start3A_244 = tpu.memref_squeeze %dma_start3A_243 : memref<1x4096xf32, #tpu.memory_space<hbm>> -> memref<4096xf32, #tpu.memory_space<hbm>>
        %dma_start3A_245 = arith.constant 0 : i32
        %dma_start3A_246 = tpu.memref_slice %arg3[%add3A_233, %dma_start3A_245] : memref<2048x4096xf32, #tpu.memory_space<hbm>> -> memref<1x4096xf32, #tpu.memory_space<hbm>>
        %dma_start3A_247 = tpu.memref_squeeze %dma_start3A_246 : memref<1x4096xf32, #tpu.memory_space<hbm>> -> memref<4096xf32, #tpu.memory_space<hbm>>
        tpu.enqueue_dma source(%dma_start3A_247 : memref<4096xf32, #tpu.memory_space<hbm>>) target(%arg11 : memref<4096xf32, #tpu.memory_space<vmem>>) target_semaphore(%arg19 : memref<!tpu.dma_semaphore, #tpu.memory_space<semaphore_mem>>)
      } else {
      }
      %dma_wait3A_83 = arith.constant 0 : i32
      %dma_wait3A_84 = arith.constant 0 : i32
      %dma_wait3A_85 = arith.constant 0 : i32
      %dma_wait3A_86 = tpu.memref_slice %arg2[%dma_wait3A_84, %dma_wait3A_83, %dma_wait3A_85] : memref<4x2048x4096xf32, #tpu.memory_space<hbm>> -> memref<4x1x4096xf32, #tpu.memory_space<hbm>>
      %dma_wait3A_87 = tpu.memref_squeeze %dma_wait3A_86 : memref<4x1x4096xf32, #tpu.memory_space<hbm>> -> memref<4x4096xf32, #tpu.memory_space<hbm>>
      %dma_wait3A_88 = arith.constant 0 : i32
      %dma_wait3A_89 = arith.constant 0 : i32
      %dma_wait3A_90 = tpu.memref_slice %arg2[%dma_wait3A_88, %dma_wait3A_83, %dma_wait3A_89] : memref<4x2048x4096xf32, #tpu.memory_space<hbm>> -> memref<4x1x4096xf32, #tpu.memory_space<hbm>>
      %dma_wait3A_91 = tpu.memref_squeeze %dma_wait3A_90 : memref<4x1x4096xf32, #tpu.memory_space<hbm>> -> memref<4x4096xf32, #tpu.memory_space<hbm>>
      tpu.wait_dma2 semaphore(%arg13 : memref<!tpu.dma_semaphore, #tpu.memory_space<semaphore_mem>>) src(%dma_wait3A_91 : memref<4x4096xf32, #tpu.memory_space<hbm>>) dst(%arg5 : memref<4x4096xf32, #tpu.memory_space<vmem>>)
      %dma_wait3A_92 = arith.constant 0 : i32
      %dma_wait3A_93 = arith.constant 0 : i32
      %dma_wait3A_94 = tpu.memref_slice %arg3[%dma_wait3A_92, %dma_wait3A_93] : memref<2048x4096xf32, #tpu.memory_space<hbm>> -> memref<1x4096xf32, #tpu.memory_space<hbm>>
      %dma_wait3A_95 = tpu.memref_squeeze %dma_wait3A_94 : memref<1x4096xf32, #tpu.memory_space<hbm>> -> memref<4096xf32, #tpu.memory_space<hbm>>
      %dma_wait3A_96 = arith.constant 0 : i32
      %dma_wait3A_97 = tpu.memref_slice %arg3[%dma_wait3A_92, %dma_wait3A_96] : memref<2048x4096xf32, #tpu.memory_space<hbm>> -> memref<1x4096xf32, #tpu.memory_space<hbm>>
      %dma_wait3A_98 = tpu.memref_squeeze %dma_wait3A_97 : memref<1x4096xf32, #tpu.memory_space<hbm>> -> memref<4096xf32, #tpu.memory_space<hbm>>
      tpu.wait_dma2 semaphore(%arg17 : memref<!tpu.dma_semaphore, #tpu.memory_space<semaphore_mem>>) src(%dma_wait3A_98 : memref<4096xf32, #tpu.memory_space<hbm>>) dst(%arg9 : memref<4096xf32, #tpu.memory_space<vmem>>)
      %parallel_loop3A = arith.constant 0 : i32
      %parallel_loop3A_99 = arith.constant 256 : i32
      %parallel_loop3A_100 = arith.constant 1 : i32
      scf.for %parallel_loop3A_227 = %parallel_loop3A to %parallel_loop3A_99 step %parallel_loop3A_100  : i32 {
        %parallel_loop3A_228 = arith.constant 16 : i32
        %parallel_loop3A_229 = arith.muli %parallel_loop3A_227, %parallel_loop3A_228 : i32
        %parallel_loop3A_230 = arith.index_cast %parallel_loop3A_229 : i32 to index
        %parallel_loop3A_231 = tpu.vector_load %arg9[%parallel_loop3A_230] {strides = array<i32>} : memref<4096xf32, #tpu.memory_space<vmem>>, vector<16xf32>,
        %parallel_loop3A_232 = vector.shape_cast %parallel_loop3A_231 : vector<16xf32> to vector<16xf32>
        %parallel_loop3A_233 = arith.constant 0 : i32
        %parallel_loop3A_234 = arith.index_cast %parallel_loop3A_233 : i32 to index
        %parallel_loop3A_235 = arith.index_cast %parallel_loop3A_229 : i32 to index
        %parallel_loop3A_236 = tpu.vector_load %arg5[%parallel_loop3A_234, %parallel_loop3A_235] {strides = array<i32>} : memref<4x4096xf32, #tpu.memory_space<vmem>>, vector<1x16xf32>,
        %parallel_loop3A_237 = vector.shape_cast %parallel_loop3A_236 : vector<1x16xf32> to vector<16xf32>
        %parallel_loop3A_238 = arith.addf %parallel_loop3A_237, %parallel_loop3A_232 : vector<16xf32>
        %parallel_loop3A_239 = arith.constant 0 : i32
        %parallel_loop3A_240 = arith.index_cast %parallel_loop3A_239 : i32 to index
        %parallel_loop3A_241 = arith.index_cast %parallel_loop3A_229 : i32 to index
        %parallel_loop3A_242 = tpu.vector_load %arg5[%parallel_loop3A_240, %parallel_loop3A_241] {strides = array<i32>} : memref<4x4096xf32, #tpu.memory_space<vmem>>, vector<1x16xf32>,
        %parallel_loop3A_243 = vector.shape_cast %parallel_loop3A_242 : vector<1x16xf32> to vector<16xf32>
        %parallel_loop3A_244 = vector.shape_cast %parallel_loop3A_238 : vector<16xf32> to vector<1x16xf32>
        tpu.vector_store %arg5[%parallel_loop3A_240, %parallel_loop3A_241], %parallel_loop3A_244 {strides = array<i32>} : memref<4x4096xf32, #tpu.memory_space<vmem>>, vector<1x16xf32>,
        %parallel_loop3A_245 = arith.constant 1 : i32
        %parallel_loop3A_246 = arith.index_cast %parallel_loop3A_245 : i32 to index
        %parallel_loop3A_247 = arith.index_cast %parallel_loop3A_229 : i32 to index
        %parallel_loop3A_248 = tpu.vector_load %arg5[%parallel_loop3A_246, %parallel_loop3A_247] {strides = array<i32>} : memref<4x4096xf32, #tpu.memory_space<vmem>>, vector<1x16xf32>,
        %parallel_loop3A_249 = vector.shape_cast %parallel_loop3A_248 : vector<1x16xf32> to vector<16xf32>
        %parallel_loop3A_250 = arith.addf %parallel_loop3A_249, %parallel_loop3A_232 : vector<16xf32>
        %parallel_loop3A_251 = arith.constant 1 : i32
        %parallel_loop3A_252 = arith.index_cast %parallel_loop3A_251 : i32 to index
        %parallel_loop3A_253 = arith.index_cast %parallel_loop3A_229 : i32 to index
        %parallel_loop3A_254 = tpu.vector_load %arg5[%parallel_loop3A_252, %parallel_loop3A_253] {strides = array<i32>} : memref<4x4096xf32, #tpu.memory_space<vmem>>, vector<1x16xf32>,
        %parallel_loop3A_255 = vector.shape_cast %parallel_loop3A_254 : vector<1x16xf32> to vector<16xf32>
        %parallel_loop3A_256 = vector.shape_cast %parallel_loop3A_250 : vector<16xf32> to vector<1x16xf32>
        tpu.vector_store %arg5[%parallel_loop3A_252, %parallel_loop3A_253], %parallel_loop3A_256 {strides = array<i32>} : memref<4x4096xf32, #tpu.memory_space<vmem>>, vector<1x16xf32>,
        %parallel_loop3A_257 = arith.constant 2 : i32
        %parallel_loop3A_258 = arith.index_cast %parallel_loop3A_257 : i32 to index
        %parallel_loop3A_259 = arith.index_cast %parallel_loop3A_229 : i32 to index
        %parallel_loop3A_260 = tpu.vector_load %arg5[%parallel_loop3A_258, %parallel_loop3A_259] {strides = array<i32>} : memref<4x4096xf32, #tpu.memory_space<vmem>>, vector<1x16xf32>,
        %parallel_loop3A_261 = vector.shape_cast %parallel_loop3A_260 : vector<1x16xf32> to vector<16xf32>
        %parallel_loop3A_262 = arith.addf %parallel_loop3A_261, %parallel_loop3A_232 : vector<16xf32>
        %parallel_loop3A_263 = arith.constant 2 : i32
        %parallel_loop3A_264 = arith.index_cast %parallel_loop3A_263 : i32 to index
        %parallel_loop3A_265 = arith.index_cast %parallel_loop3A_229 : i32 to index
        %parallel_loop3A_266 = tpu.vector_load %arg5[%parallel_loop3A_264, %parallel_loop3A_265] {strides = array<i32>} : memref<4x4096xf32, #tpu.memory_space<vmem>>, vector<1x16xf32>,
        %parallel_loop3A_267 = vector.shape_cast %parallel_loop3A_266 : vector<1x16xf32> to vector<16xf32>
        %parallel_loop3A_268 = vector.shape_cast %parallel_loop3A_262 : vector<16xf32> to vector<1x16xf32>
        tpu.vector_store %arg5[%parallel_loop3A_264, %parallel_loop3A_265], %parallel_loop3A_268 {strides = array<i32>} : memref<4x4096xf32, #tpu.memory_space<vmem>>, vector<1x16xf32>,
        %parallel_loop3A_269 = arith.constant 3 : i32
        %parallel_loop3A_270 = arith.index_cast %parallel_loop3A_269 : i32 to index
        %parallel_loop3A_271 = arith.index_cast %parallel_loop3A_229 : i32 to index
        %parallel_loop3A_272 = tpu.vector_load %arg5[%parallel_loop3A_270, %parallel_loop3A_271] {strides = array<i32>} : memref<4x4096xf32, #tpu.memory_space<vmem>>, vector<1x16xf32>,
        %parallel_loop3A_273 = vector.shape_cast %parallel_loop3A_272 : vector<1x16xf32> to vector<16xf32>
        %parallel_loop3A_274 = arith.addf %parallel_loop3A_273, %parallel_loop3A_232 : vector<16xf32>
        %parallel_loop3A_275 = arith.constant 3 : i32
        %parallel_loop3A_276 = arith.index_cast %parallel_loop3A_275 : i32 to index
        %parallel_loop3A_277 = arith.index_cast %parallel_loop3A_229 : i32 to index
        %parallel_loop3A_278 = tpu.vector_load %arg5[%parallel_loop3A_276, %parallel_loop3A_277] {strides = array<i32>} : memref<4x4096xf32, #tpu.memory_space<vmem>>, vector<1x16xf32>,
        %parallel_loop3A_279 = vector.shape_cast %parallel_loop3A_278 : vector<1x16xf32> to vector<16xf32>
        %parallel_loop3A_280 = vector.shape_cast %parallel_loop3A_274 : vector<16xf32> to vector<1x16xf32>
        tpu.vector_store %arg5[%parallel_loop3A_276, %parallel_loop3A_277], %parallel_loop3A_280 {strides = array<i32>} : memref<4x4096xf32, #tpu.memory_space<vmem>>, vector<1x16xf32>,
      } {sc.loop_unroll_factor = 8 : i64, sc.parallel_access}
      %add3A_101 = arith.addi %mul3A_2, %add3A_78 : i32
      %dma_start3A_102 = arith.constant 0 : i32
      %dma_start3A_103 = arith.constant 0 : i32
      %dma_start3A_104 = tpu.memref_slice %arg4[%dma_start3A_102, %add3A_101, %dma_start3A_103] : memref<4x2048x4096xf32, #tpu.memory_space<hbm>> -> memref<4x1x4096xf32, #tpu.memory_space<hbm>>
      %dma_start3A_105 = tpu.memref_squeeze %dma_start3A_104 : memref<4x1x4096xf32, #tpu.memory_space<hbm>> -> memref<4x4096xf32, #tpu.memory_space<hbm>>
      %dma_start3A_106 = arith.constant 0 : i32
      %dma_start3A_107 = arith.constant 0 : i32
      %dma_start3A_108 = tpu.memref_slice %arg4[%dma_start3A_106, %add3A_101, %dma_start3A_107] : memref<4x2048x4096xf32, #tpu.memory_space<hbm>> -> memref<4x1x4096xf32, #tpu.memory_space<hbm>>
      %dma_start3A_109 = tpu.memref_squeeze %dma_start3A_108 : memref<4x1x4096xf32, #tpu.memory_space<hbm>> -> memref<4x4096xf32, #tpu.memory_space<hbm>>
      tpu.enqueue_dma source(%arg5 : memref<4x4096xf32, #tpu.memory_space<vmem>>) target(%dma_start3A_109 : memref<4x4096xf32, #tpu.memory_space<hbm>>) target_semaphore(%arg21 : memref<!tpu.dma_semaphore, #tpu.memory_space<semaphore_mem>>)
      %mul3A_110 = arith.constant 4 : i32
      %mul3A_111 = arith.muli %scan3A_74, %mul3A_110 : i32
      %add3A_112 = arith.constant 1 : i32
      %add3A_113 = arith.addi %mul3A_111, %add3A_112 : i32
      %add3A_114 = arith.constant 2 : i32
      %add3A_115 = arith.addi %add3A_113, %add3A_114 : i32
      %lt3A_116 = arith.constant 64 : i32
      %lt3A_117 = arith.cmpi slt, %add3A_115, %lt3A_116 : i32
      %convert_element_type3A_118 = arith.extui %lt3A_117 : i1 to i32
      %cond3A_119 = arith.constant 0 : i32
      %cond3A_120 = arith.cmpi ne, %convert_element_type3A_118, %cond3A_119 : i32
      scf.if %cond3A_120 {
        %ge3A = arith.constant 2 : i32
        %ge3A_227 = arith.cmpi sge, %add3A_113, %ge3A : i32
        %convert_element_type3A_228 = arith.extui %ge3A_227 : i1 to i32
        %cond3A_229 = arith.constant 0 : i32
        %cond3A_230 = arith.cmpi ne, %convert_element_type3A_228, %cond3A_229 : i32
        scf.if %cond3A_230 {
          %dma_wait3A_248 = arith.constant 0 : i32
          %dma_wait3A_249 = arith.constant 0 : i32
          %dma_wait3A_250 = arith.constant 0 : i32
          %dma_wait3A_251 = tpu.memref_slice %arg4[%dma_wait3A_249, %dma_wait3A_248, %dma_wait3A_250] : memref<4x2048x4096xf32, #tpu.memory_space<hbm>> -> memref<4x1x4096xf32, #tpu.memory_space<hbm>>
          %dma_wait3A_252 = tpu.memref_squeeze %dma_wait3A_251 : memref<4x1x4096xf32, #tpu.memory_space<hbm>> -> memref<4x4096xf32, #tpu.memory_space<hbm>>
          %dma_wait3A_253 = arith.constant 0 : i32
          %dma_wait3A_254 = arith.constant 0 : i32
          %dma_wait3A_255 = tpu.memref_slice %arg4[%dma_wait3A_253, %dma_wait3A_248, %dma_wait3A_254] : memref<4x2048x4096xf32, #tpu.memory_space<hbm>> -> memref<4x1x4096xf32, #tpu.memory_space<hbm>>
          %dma_wait3A_256 = tpu.memref_squeeze %dma_wait3A_255 : memref<4x1x4096xf32, #tpu.memory_space<hbm>> -> memref<4x4096xf32, #tpu.memory_space<hbm>>
          tpu.wait_dma2 semaphore(%arg24 : memref<!tpu.dma_semaphore, #tpu.memory_space<semaphore_mem>>) src(%arg8 : memref<4x4096xf32, #tpu.memory_space<vmem>>) dst(%dma_wait3A_256 : memref<4x4096xf32, #tpu.memory_space<hbm>>)
        } else {
        }
        %add3A_231 = arith.constant 2 : i32
        %add3A_232 = arith.addi %add3A_113, %add3A_231 : i32
        %add3A_233 = arith.addi %mul3A_2, %add3A_232 : i32
        %dma_start3A_234 = arith.constant 0 : i32
        %dma_start3A_235 = arith.constant 0 : i32
        %dma_start3A_236 = tpu.memref_slice %arg2[%dma_start3A_234, %add3A_233, %dma_start3A_235] : memref<4x2048x4096xf32, #tpu.memory_space<hbm>> -> memref<4x1x4096xf32, #tpu.memory_space<hbm>>
        %dma_start3A_237 = tpu.memref_squeeze %dma_start3A_236 : memref<4x1x4096xf32, #tpu.memory_space<hbm>> -> memref<4x4096xf32, #tpu.memory_space<hbm>>
        %dma_start3A_238 = arith.constant 0 : i32
        %dma_start3A_239 = arith.constant 0 : i32
        %dma_start3A_240 = tpu.memref_slice %arg2[%dma_start3A_238, %add3A_233, %dma_start3A_239] : memref<4x2048x4096xf32, #tpu.memory_space<hbm>> -> memref<4x1x4096xf32, #tpu.memory_space<hbm>>
        %dma_start3A_241 = tpu.memref_squeeze %dma_start3A_240 : memref<4x1x4096xf32, #tpu.memory_space<hbm>> -> memref<4x4096xf32, #tpu.memory_space<hbm>>
        tpu.enqueue_dma source(%dma_start3A_241 : memref<4x4096xf32, #tpu.memory_space<hbm>>) target(%arg8 : memref<4x4096xf32, #tpu.memory_space<vmem>>) target_semaphore(%arg16 : memref<!tpu.dma_semaphore, #tpu.memory_space<semaphore_mem>>)
        %dma_start3A_242 = arith.constant 0 : i32
        %dma_start3A_243 = tpu.memref_slice %arg3[%add3A_233, %dma_start3A_242] : memref<2048x4096xf32, #tpu.memory_space<hbm>> -> memref<1x4096xf32, #tpu.memory_space<hbm>>
        %dma_start3A_244 = tpu.memref_squeeze %dma_start3A_243 : memref<1x4096xf32, #tpu.memory_space<hbm>> -> memref<4096xf32, #tpu.memory_space<hbm>>
        %dma_start3A_245 = arith.constant 0 : i32
        %dma_start3A_246 = tpu.memref_slice %arg3[%add3A_233, %dma_start3A_245] : memref<2048x4096xf32, #tpu.memory_space<hbm>> -> memref<1x4096xf32, #tpu.memory_space<hbm>>
        %dma_start3A_247 = tpu.memref_squeeze %dma_start3A_246 : memref<1x4096xf32, #tpu.memory_space<hbm>> -> memref<4096xf32, #tpu.memory_space<hbm>>
        tpu.enqueue_dma source(%dma_start3A_247 : memref<4096xf32, #tpu.memory_space<hbm>>) target(%arg12 : memref<4096xf32, #tpu.memory_space<vmem>>) target_semaphore(%arg20 : memref<!tpu.dma_semaphore, #tpu.memory_space<semaphore_mem>>)
      } else {
      }
      %dma_wait3A_121 = arith.constant 0 : i32
      %dma_wait3A_122 = arith.constant 0 : i32
      %dma_wait3A_123 = arith.constant 0 : i32
      %dma_wait3A_124 = tpu.memref_slice %arg2[%dma_wait3A_122, %dma_wait3A_121, %dma_wait3A_123] : memref<4x2048x4096xf32, #tpu.memory_space<hbm>> -> memref<4x1x4096xf32, #tpu.memory_space<hbm>>
      %dma_wait3A_125 = tpu.memref_squeeze %dma_wait3A_124 : memref<4x1x4096xf32, #tpu.memory_space<hbm>> -> memref<4x4096xf32, #tpu.memory_space<hbm>>
      %dma_wait3A_126 = arith.constant 0 : i32
      %dma_wait3A_127 = arith.constant 0 : i32
      %dma_wait3A_128 = tpu.memref_slice %arg2[%dma_wait3A_126, %dma_wait3A_121, %dma_wait3A_127] : memref<4x2048x4096xf32, #tpu.memory_space<hbm>> -> memref<4x1x4096xf32, #tpu.memory_space<hbm>>
      %dma_wait3A_129 = tpu.memref_squeeze %dma_wait3A_128 : memref<4x1x4096xf32, #tpu.memory_space<hbm>> -> memref<4x4096xf32, #tpu.memory_space<hbm>>
      tpu.wait_dma2 semaphore(%arg14 : memref<!tpu.dma_semaphore, #tpu.memory_space<semaphore_mem>>) src(%dma_wait3A_129 : memref<4x4096xf32, #tpu.memory_space<hbm>>) dst(%arg6 : memref<4x4096xf32, #tpu.memory_space<vmem>>)
      %dma_wait3A_130 = arith.constant 0 : i32
      %dma_wait3A_131 = arith.constant 0 : i32
      %dma_wait3A_132 = tpu.memref_slice %arg3[%dma_wait3A_130, %dma_wait3A_131] : memref<2048x4096xf32, #tpu.memory_space<hbm>> -> memref<1x4096xf32, #tpu.memory_space<hbm>>
      %dma_wait3A_133 = tpu.memref_squeeze %dma_wait3A_132 : memref<1x4096xf32, #tpu.memory_space<hbm>> -> memref<4096xf32, #tpu.memory_space<hbm>>
      %dma_wait3A_134 = arith.constant 0 : i32
      %dma_wait3A_135 = tpu.memref_slice %arg3[%dma_wait3A_130, %dma_wait3A_134] : memref<2048x4096xf32, #tpu.memory_space<hbm>> -> memref<1x4096xf32, #tpu.memory_space<hbm>>
      %dma_wait3A_136 = tpu.memref_squeeze %dma_wait3A_135 : memref<1x4096xf32, #tpu.memory_space<hbm>> -> memref<4096xf32, #tpu.memory_space<hbm>>
      tpu.wait_dma2 semaphore(%arg18 : memref<!tpu.dma_semaphore, #tpu.memory_space<semaphore_mem>>) src(%dma_wait3A_136 : memref<4096xf32, #tpu.memory_space<hbm>>) dst(%arg10 : memref<4096xf32, #tpu.memory_space<vmem>>)
      %parallel_loop3A_137 = arith.constant 0 : i32
      %parallel_loop3A_138 = arith.constant 256 : i32
      %parallel_loop3A_139 = arith.constant 1 : i32
      scf.for %parallel_loop3A_227 = %parallel_loop3A_137 to %parallel_loop3A_138 step %parallel_loop3A_139  : i32 {
        %parallel_loop3A_228 = arith.constant 16 : i32
        %parallel_loop3A_229 = arith.muli %parallel_loop3A_227, %parallel_loop3A_228 : i32
        %parallel_loop3A_230 = arith.index_cast %parallel_loop3A_229 : i32 to index
        %parallel_loop3A_231 = tpu.vector_load %arg10[%parallel_loop3A_230] {strides = array<i32>} : memref<4096xf32, #tpu.memory_space<vmem>>, vector<16xf32>,
        %parallel_loop3A_232 = vector.shape_cast %parallel_loop3A_231 : vector<16xf32> to vector<16xf32>
        %parallel_loop3A_233 = arith.constant 0 : i32
        %parallel_loop3A_234 = arith.index_cast %parallel_loop3A_233 : i32 to index
        %parallel_loop3A_235 = arith.index_cast %parallel_loop3A_229 : i32 to index
        %parallel_loop3A_236 = tpu.vector_load %arg6[%parallel_loop3A_234, %parallel_loop3A_235] {strides = array<i32>} : memref<4x4096xf32, #tpu.memory_space<vmem>>, vector<1x16xf32>,
        %parallel_loop3A_237 = vector.shape_cast %parallel_loop3A_236 : vector<1x16xf32> to vector<16xf32>
        %parallel_loop3A_238 = arith.addf %parallel_loop3A_237, %parallel_loop3A_232 : vector<16xf32>
        %parallel_loop3A_239 = arith.constant 0 : i32
        %parallel_loop3A_240 = arith.index_cast %parallel_loop3A_239 : i32 to index
        %parallel_loop3A_241 = arith.index_cast %parallel_loop3A_229 : i32 to index
        %parallel_loop3A_242 = tpu.vector_load %arg6[%parallel_loop3A_240, %parallel_loop3A_241] {strides = array<i32>} : memref<4x4096xf32, #tpu.memory_space<vmem>>, vector<1x16xf32>,
        %parallel_loop3A_243 = vector.shape_cast %parallel_loop3A_242 : vector<1x16xf32> to vector<16xf32>
        %parallel_loop3A_244 = vector.shape_cast %parallel_loop3A_238 : vector<16xf32> to vector<1x16xf32>
        tpu.vector_store %arg6[%parallel_loop3A_240, %parallel_loop3A_241], %parallel_loop3A_244 {strides = array<i32>} : memref<4x4096xf32, #tpu.memory_space<vmem>>, vector<1x16xf32>,
        %parallel_loop3A_245 = arith.constant 1 : i32
        %parallel_loop3A_246 = arith.index_cast %parallel_loop3A_245 : i32 to index
        %parallel_loop3A_247 = arith.index_cast %parallel_loop3A_229 : i32 to index
        %parallel_loop3A_248 = tpu.vector_load %arg6[%parallel_loop3A_246, %parallel_loop3A_247] {strides = array<i32>} : memref<4x4096xf32, #tpu.memory_space<vmem>>, vector<1x16xf32>,
        %parallel_loop3A_249 = vector.shape_cast %parallel_loop3A_248 : vector<1x16xf32> to vector<16xf32>
        %parallel_loop3A_250 = arith.addf %parallel_loop3A_249, %parallel_loop3A_232 : vector<16xf32>
        %parallel_loop3A_251 = arith.constant 1 : i32
        %parallel_loop3A_252 = arith.index_cast %parallel_loop3A_251 : i32 to index
        %parallel_loop3A_253 = arith.index_cast %parallel_loop3A_229 : i32 to index
        %parallel_loop3A_254 = tpu.vector_load %arg6[%parallel_loop3A_252, %parallel_loop3A_253] {strides = array<i32>} : memref<4x4096xf32, #tpu.memory_space<vmem>>, vector<1x16xf32>,
        %parallel_loop3A_255 = vector.shape_cast %parallel_loop3A_254 : vector<1x16xf32> to vector<16xf32>
        %parallel_loop3A_256 = vector.shape_cast %parallel_loop3A_250 : vector<16xf32> to vector<1x16xf32>
        tpu.vector_store %arg6[%parallel_loop3A_252, %parallel_loop3A_253], %parallel_loop3A_256 {strides = array<i32>} : memref<4x4096xf32, #tpu.memory_space<vmem>>, vector<1x16xf32>,
        %parallel_loop3A_257 = arith.constant 2 : i32
        %parallel_loop3A_258 = arith.index_cast %parallel_loop3A_257 : i32 to index
        %parallel_loop3A_259 = arith.index_cast %parallel_loop3A_229 : i32 to index
        %parallel_loop3A_260 = tpu.vector_load %arg6[%parallel_loop3A_258, %parallel_loop3A_259] {strides = array<i32>} : memref<4x4096xf32, #tpu.memory_space<vmem>>, vector<1x16xf32>,
        %parallel_loop3A_261 = vector.shape_cast %parallel_loop3A_260 : vector<1x16xf32> to vector<16xf32>
        %parallel_loop3A_262 = arith.addf %parallel_loop3A_261, %parallel_loop3A_232 : vector<16xf32>
        %parallel_loop3A_263 = arith.constant 2 : i32
        %parallel_loop3A_264 = arith.index_cast %parallel_loop3A_263 : i32 to index
        %parallel_loop3A_265 = arith.index_cast %parallel_loop3A_229 : i32 to index
        %parallel_loop3A_266 = tpu.vector_load %arg6[%parallel_loop3A_264, %parallel_loop3A_265] {strides = array<i32>} : memref<4x4096xf32, #tpu.memory_space<vmem>>, vector<1x16xf32>,
        %parallel_loop3A_267 = vector.shape_cast %parallel_loop3A_266 : vector<1x16xf32> to vector<16xf32>
        %parallel_loop3A_268 = vector.shape_cast %parallel_loop3A_262 : vector<16xf32> to vector<1x16xf32>
        tpu.vector_store %arg6[%parallel_loop3A_264, %parallel_loop3A_265], %parallel_loop3A_268 {strides = array<i32>} : memref<4x4096xf32, #tpu.memory_space<vmem>>, vector<1x16xf32>,
        %parallel_loop3A_269 = arith.constant 3 : i32
        %parallel_loop3A_270 = arith.index_cast %parallel_loop3A_269 : i32 to index
        %parallel_loop3A_271 = arith.index_cast %parallel_loop3A_229 : i32 to index
        %parallel_loop3A_272 = tpu.vector_load %arg6[%parallel_loop3A_270, %parallel_loop3A_271] {strides = array<i32>} : memref<4x4096xf32, #tpu.memory_space<vmem>>, vector<1x16xf32>,
        %parallel_loop3A_273 = vector.shape_cast %parallel_loop3A_272 : vector<1x16xf32> to vector<16xf32>
        %parallel_loop3A_274 = arith.addf %parallel_loop3A_273, %parallel_loop3A_232 : vector<16xf32>
        %parallel_loop3A_275 = arith.constant 3 : i32
        %parallel_loop3A_276 = arith.index_cast %parallel_loop3A_275 : i32 to index
        %parallel_loop3A_277 = arith.index_cast %parallel_loop3A_229 : i32 to index
        %parallel_loop3A_278 = tpu.vector_load %arg6[%parallel_loop3A_276, %parallel_loop3A_277] {strides = array<i32>} : memref<4x4096xf32, #tpu.memory_space<vmem>>, vector<1x16xf32>,
        %parallel_loop3A_279 = vector.shape_cast %parallel_loop3A_278 : vector<1x16xf32> to vector<16xf32>
        %parallel_loop3A_280 = vector.shape_cast %parallel_loop3A_274 : vector<16xf32> to vector<1x16xf32>
        tpu.vector_store %arg6[%parallel_loop3A_276, %parallel_loop3A_277], %parallel_loop3A_280 {strides = array<i32>} : memref<4x4096xf32, #tpu.memory_space<vmem>>, vector<1x16xf32>,
      } {sc.loop_unroll_factor = 8 : i64, sc.parallel_access}
      %add3A_140 = arith.addi %mul3A_2, %add3A_113 : i32
      %dma_start3A_141 = arith.constant 0 : i32
      %dma_start3A_142 = arith.constant 0 : i32
      %dma_start3A_143 = tpu.memref_slice %arg4[%dma_start3A_141, %add3A_140, %dma_start3A_142] : memref<4x2048x4096xf32, #tpu.memory_space<hbm>> -> memref<4x1x4096xf32, #tpu.memory_space<hbm>>
      %dma_start3A_144 = tpu.memref_squeeze %dma_start3A_143 : memref<4x1x4096xf32, #tpu.memory_space<hbm>> -> memref<4x4096xf32, #tpu.memory_space<hbm>>
      %dma_start3A_145 = arith.constant 0 : i32
      %dma_start3A_146 = arith.constant 0 : i32
      %dma_start3A_147 = tpu.memref_slice %arg4[%dma_start3A_145, %add3A_140, %dma_start3A_146] : memref<4x2048x4096xf32, #tpu.memory_space<hbm>> -> memref<4x1x4096xf32, #tpu.memory_space<hbm>>
      %dma_start3A_148 = tpu.memref_squeeze %dma_start3A_147 : memref<4x1x4096xf32, #tpu.memory_space<hbm>> -> memref<4x4096xf32, #tpu.memory_space<hbm>>
      tpu.enqueue_dma source(%arg6 : memref<4x4096xf32, #tpu.memory_space<vmem>>) target(%dma_start3A_148 : memref<4x4096xf32, #tpu.memory_space<hbm>>) target_semaphore(%arg22 : memref<!tpu.dma_semaphore, #tpu.memory_space<semaphore_mem>>)
      %mul3A_149 = arith.constant 4 : i32
      %mul3A_150 = arith.muli %scan3A_74, %mul3A_149 : i32
      %add3A_151 = arith.constant 2 : i32
      %add3A_152 = arith.addi %mul3A_150, %add3A_151 : i32
      %add3A_153 = arith.constant 2 : i32
      %add3A_154 = arith.addi %add3A_152, %add3A_153 : i32
      %lt3A_155 = arith.constant 64 : i32
      %lt3A_156 = arith.cmpi slt, %add3A_154, %lt3A_155 : i32
      %convert_element_type3A_157 = arith.extui %lt3A_156 : i1 to i32
      %cond3A_158 = arith.constant 0 : i32
      %cond3A_159 = arith.cmpi ne, %convert_element_type3A_157, %cond3A_158 : i32
      scf.if %cond3A_159 {
        %ge3A = arith.constant 2 : i32
        %ge3A_227 = arith.cmpi sge, %add3A_152, %ge3A : i32
        %convert_element_type3A_228 = arith.extui %ge3A_227 : i1 to i32
        %cond3A_229 = arith.constant 0 : i32
        %cond3A_230 = arith.cmpi ne, %convert_element_type3A_228, %cond3A_229 : i32
        scf.if %cond3A_230 {
          %dma_wait3A_248 = arith.constant 0 : i32
          %dma_wait3A_249 = arith.constant 0 : i32
          %dma_wait3A_250 = arith.constant 0 : i32
          %dma_wait3A_251 = tpu.memref_slice %arg4[%dma_wait3A_249, %dma_wait3A_248, %dma_wait3A_250] : memref<4x2048x4096xf32, #tpu.memory_space<hbm>> -> memref<4x1x4096xf32, #tpu.memory_space<hbm>>
          %dma_wait3A_252 = tpu.memref_squeeze %dma_wait3A_251 : memref<4x1x4096xf32, #tpu.memory_space<hbm>> -> memref<4x4096xf32, #tpu.memory_space<hbm>>
          %dma_wait3A_253 = arith.constant 0 : i32
          %dma_wait3A_254 = arith.constant 0 : i32
          %dma_wait3A_255 = tpu.memref_slice %arg4[%dma_wait3A_253, %dma_wait3A_248, %dma_wait3A_254] : memref<4x2048x4096xf32, #tpu.memory_space<hbm>> -> memref<4x1x4096xf32, #tpu.memory_space<hbm>>
          %dma_wait3A_256 = tpu.memref_squeeze %dma_wait3A_255 : memref<4x1x4096xf32, #tpu.memory_space<hbm>> -> memref<4x4096xf32, #tpu.memory_space<hbm>>
          tpu.wait_dma2 semaphore(%arg21 : memref<!tpu.dma_semaphore, #tpu.memory_space<semaphore_mem>>) src(%arg5 : memref<4x4096xf32, #tpu.memory_space<vmem>>) dst(%dma_wait3A_256 : memref<4x4096xf32, #tpu.memory_space<hbm>>)
        } else {
        }
        %add3A_231 = arith.constant 2 : i32
        %add3A_232 = arith.addi %add3A_152, %add3A_231 : i32
        %add3A_233 = arith.addi %mul3A_2, %add3A_232 : i32
        %dma_start3A_234 = arith.constant 0 : i32
        %dma_start3A_235 = arith.constant 0 : i32
        %dma_start3A_236 = tpu.memref_slice %arg2[%dma_start3A_234, %add3A_233, %dma_start3A_235] : memref<4x2048x4096xf32, #tpu.memory_space<hbm>> -> memref<4x1x4096xf32, #tpu.memory_space<hbm>>
        %dma_start3A_237 = tpu.memref_squeeze %dma_start3A_236 : memref<4x1x4096xf32, #tpu.memory_space<hbm>> -> memref<4x4096xf32, #tpu.memory_space<hbm>>
        %dma_start3A_238 = arith.constant 0 : i32
        %dma_start3A_239 = arith.constant 0 : i32
        %dma_start3A_240 = tpu.memref_slice %arg2[%dma_start3A_238, %add3A_233, %dma_start3A_239] : memref<4x2048x4096xf32, #tpu.memory_space<hbm>> -> memref<4x1x4096xf32, #tpu.memory_space<hbm>>
        %dma_start3A_241 = tpu.memref_squeeze %dma_start3A_240 : memref<4x1x4096xf32, #tpu.memory_space<hbm>> -> memref<4x4096xf32, #tpu.memory_space<hbm>>
        tpu.enqueue_dma source(%dma_start3A_241 : memref<4x4096xf32, #tpu.memory_space<hbm>>) target(%arg5 : memref<4x4096xf32, #tpu.memory_space<vmem>>) target_semaphore(%arg13 : memref<!tpu.dma_semaphore, #tpu.memory_space<semaphore_mem>>)
        %dma_start3A_242 = arith.constant 0 : i32
        %dma_start3A_243 = tpu.memref_slice %arg3[%add3A_233, %dma_start3A_242] : memref<2048x4096xf32, #tpu.memory_space<hbm>> -> memref<1x4096xf32, #tpu.memory_space<hbm>>
        %dma_start3A_244 = tpu.memref_squeeze %dma_start3A_243 : memref<1x4096xf32, #tpu.memory_space<hbm>> -> memref<4096xf32, #tpu.memory_space<hbm>>
        %dma_start3A_245 = arith.constant 0 : i32
        %dma_start3A_246 = tpu.memref_slice %arg3[%add3A_233, %dma_start3A_245] : memref<2048x4096xf32, #tpu.memory_space<hbm>> -> memref<1x4096xf32, #tpu.memory_space<hbm>>
        %dma_start3A_247 = tpu.memref_squeeze %dma_start3A_246 : memref<1x4096xf32, #tpu.memory_space<hbm>> -> memref<4096xf32, #tpu.memory_space<hbm>>
        tpu.enqueue_dma source(%dma_start3A_247 : memref<4096xf32, #tpu.memory_space<hbm>>) target(%arg9 : memref<4096xf32, #tpu.memory_space<vmem>>) target_semaphore(%arg17 : memref<!tpu.dma_semaphore, #tpu.memory_space<semaphore_mem>>)
      } else {
      }
      %dma_wait3A_160 = arith.constant 0 : i32
      %dma_wait3A_161 = arith.constant 0 : i32
      %dma_wait3A_162 = arith.constant 0 : i32
      %dma_wait3A_163 = tpu.memref_slice %arg2[%dma_wait3A_161, %dma_wait3A_160, %dma_wait3A_162] : memref<4x2048x4096xf32, #tpu.memory_space<hbm>> -> memref<4x1x4096xf32, #tpu.memory_space<hbm>>
      %dma_wait3A_164 = tpu.memref_squeeze %dma_wait3A_163 : memref<4x1x4096xf32, #tpu.memory_space<hbm>> -> memref<4x4096xf32, #tpu.memory_space<hbm>>
      %dma_wait3A_165 = arith.constant 0 : i32
      %dma_wait3A_166 = arith.constant 0 : i32
      %dma_wait3A_167 = tpu.memref_slice %arg2[%dma_wait3A_165, %dma_wait3A_160, %dma_wait3A_166] : memref<4x2048x4096xf32, #tpu.memory_space<hbm>> -> memref<4x1x4096xf32, #tpu.memory_space<hbm>>
      %dma_wait3A_168 = tpu.memref_squeeze %dma_wait3A_167 : memref<4x1x4096xf32, #tpu.memory_space<hbm>> -> memref<4x4096xf32, #tpu.memory_space<hbm>>
      tpu.wait_dma2 semaphore(%arg15 : memref<!tpu.dma_semaphore, #tpu.memory_space<semaphore_mem>>) src(%dma_wait3A_168 : memref<4x4096xf32, #tpu.memory_space<hbm>>) dst(%arg7 : memref<4x4096xf32, #tpu.memory_space<vmem>>)
      %dma_wait3A_169 = arith.constant 0 : i32
      %dma_wait3A_170 = arith.constant 0 : i32
      %dma_wait3A_171 = tpu.memref_slice %arg3[%dma_wait3A_169, %dma_wait3A_170] : memref<2048x4096xf32, #tpu.memory_space<hbm>> -> memref<1x4096xf32, #tpu.memory_space<hbm>>
      %dma_wait3A_172 = tpu.memref_squeeze %dma_wait3A_171 : memref<1x4096xf32, #tpu.memory_space<hbm>> -> memref<4096xf32, #tpu.memory_space<hbm>>
      %dma_wait3A_173 = arith.constant 0 : i32
      %dma_wait3A_174 = tpu.memref_slice %arg3[%dma_wait3A_169, %dma_wait3A_173] : memref<2048x4096xf32, #tpu.memory_space<hbm>> -> memref<1x4096xf32, #tpu.memory_space<hbm>>
      %dma_wait3A_175 = tpu.memref_squeeze %dma_wait3A_174 : memref<1x4096xf32, #tpu.memory_space<hbm>> -> memref<4096xf32, #tpu.memory_space<hbm>>
      tpu.wait_dma2 semaphore(%arg19 : memref<!tpu.dma_semaphore, #tpu.memory_space<semaphore_mem>>) src(%dma_wait3A_175 : memref<4096xf32, #tpu.memory_space<hbm>>) dst(%arg11 : memref<4096xf32, #tpu.memory_space<vmem>>)
      %parallel_loop3A_176 = arith.constant 0 : i32
      %parallel_loop3A_177 = arith.constant 256 : i32
      %parallel_loop3A_178 = arith.constant 1 : i32
      scf.for %parallel_loop3A_227 = %parallel_loop3A_176 to %parallel_loop3A_177 step %parallel_loop3A_178  : i32 {
        %parallel_loop3A_228 = arith.constant 16 : i32
        %parallel_loop3A_229 = arith.muli %parallel_loop3A_227, %parallel_loop3A_228 : i32
        %parallel_loop3A_230 = arith.index_cast %parallel_loop3A_229 : i32 to index
        %parallel_loop3A_231 = tpu.vector_load %arg11[%parallel_loop3A_230] {strides = array<i32>} : memref<4096xf32, #tpu.memory_space<vmem>>, vector<16xf32>,
        %parallel_loop3A_232 = vector.shape_cast %parallel_loop3A_231 : vector<16xf32> to vector<16xf32>
        %parallel_loop3A_233 = arith.constant 0 : i32
        %parallel_loop3A_234 = arith.index_cast %parallel_loop3A_233 : i32 to index
        %parallel_loop3A_235 = arith.index_cast %parallel_loop3A_229 : i32 to index
        %parallel_loop3A_236 = tpu.vector_load %arg7[%parallel_loop3A_234, %parallel_loop3A_235] {strides = array<i32>} : memref<4x4096xf32, #tpu.memory_space<vmem>>, vector<1x16xf32>,
        %parallel_loop3A_237 = vector.shape_cast %parallel_loop3A_236 : vector<1x16xf32> to vector<16xf32>
        %parallel_loop3A_238 = arith.addf %parallel_loop3A_237, %parallel_loop3A_232 : vector<16xf32>
        %parallel_loop3A_239 = arith.constant 0 : i32
        %parallel_loop3A_240 = arith.index_cast %parallel_loop3A_239 : i32 to index
        %parallel_loop3A_241 = arith.index_cast %parallel_loop3A_229 : i32 to index
        %parallel_loop3A_242 = tpu.vector_load %arg7[%parallel_loop3A_240, %parallel_loop3A_241] {strides = array<i32>} : memref<4x4096xf32, #tpu.memory_space<vmem>>, vector<1x16xf32>,
        %parallel_loop3A_243 = vector.shape_cast %parallel_loop3A_242 : vector<1x16xf32> to vector<16xf32>
        %parallel_loop3A_244 = vector.shape_cast %parallel_loop3A_238 : vector<16xf32> to vector<1x16xf32>
        tpu.vector_store %arg7[%parallel_loop3A_240, %parallel_loop3A_241], %parallel_loop3A_244 {strides = array<i32>} : memref<4x4096xf32, #tpu.memory_space<vmem>>, vector<1x16xf32>,
        %parallel_loop3A_245 = arith.constant 1 : i32
        %parallel_loop3A_246 = arith.index_cast %parallel_loop3A_245 : i32 to index
        %parallel_loop3A_247 = arith.index_cast %parallel_loop3A_229 : i32 to index
        %parallel_loop3A_248 = tpu.vector_load %arg7[%parallel_loop3A_246, %parallel_loop3A_247] {strides = array<i32>} : memref<4x4096xf32, #tpu.memory_space<vmem>>, vector<1x16xf32>,
        %parallel_loop3A_249 = vector.shape_cast %parallel_loop3A_248 : vector<1x16xf32> to vector<16xf32>
        %parallel_loop3A_250 = arith.addf %parallel_loop3A_249, %parallel_loop3A_232 : vector<16xf32>
        %parallel_loop3A_251 = arith.constant 1 : i32
        %parallel_loop3A_252 = arith.index_cast %parallel_loop3A_251 : i32 to index
        %parallel_loop3A_253 = arith.index_cast %parallel_loop3A_229 : i32 to index
        %parallel_loop3A_254 = tpu.vector_load %arg7[%parallel_loop3A_252, %parallel_loop3A_253] {strides = array<i32>} : memref<4x4096xf32, #tpu.memory_space<vmem>>, vector<1x16xf32>,
        %parallel_loop3A_255 = vector.shape_cast %parallel_loop3A_254 : vector<1x16xf32> to vector<16xf32>
        %parallel_loop3A_256 = vector.shape_cast %parallel_loop3A_250 : vector<16xf32> to vector<1x16xf32>
        tpu.vector_store %arg7[%parallel_loop3A_252, %parallel_loop3A_253], %parallel_loop3A_256 {strides = array<i32>} : memref<4x4096xf32, #tpu.memory_space<vmem>>, vector<1x16xf32>,
        %parallel_loop3A_257 = arith.constant 2 : i32
        %parallel_loop3A_258 = arith.index_cast %parallel_loop3A_257 : i32 to index
        %parallel_loop3A_259 = arith.index_cast %parallel_loop3A_229 : i32 to index
        %parallel_loop3A_260 = tpu.vector_load %arg7[%parallel_loop3A_258, %parallel_loop3A_259] {strides = array<i32>} : memref<4x4096xf32, #tpu.memory_space<vmem>>, vector<1x16xf32>,
        %parallel_loop3A_261 = vector.shape_cast %parallel_loop3A_260 : vector<1x16xf32> to vector<16xf32>
        %parallel_loop3A_262 = arith.addf %parallel_loop3A_261, %parallel_loop3A_232 : vector<16xf32>
        %parallel_loop3A_263 = arith.constant 2 : i32
        %parallel_loop3A_264 = arith.index_cast %parallel_loop3A_263 : i32 to index
        %parallel_loop3A_265 = arith.index_cast %parallel_loop3A_229 : i32 to index
        %parallel_loop3A_266 = tpu.vector_load %arg7[%parallel_loop3A_264, %parallel_loop3A_265] {strides = array<i32>} : memref<4x4096xf32, #tpu.memory_space<vmem>>, vector<1x16xf32>,
        %parallel_loop3A_267 = vector.shape_cast %parallel_loop3A_266 : vector<1x16xf32> to vector<16xf32>
        %parallel_loop3A_268 = vector.shape_cast %parallel_loop3A_262 : vector<16xf32> to vector<1x16xf32>
        tpu.vector_store %arg7[%parallel_loop3A_264, %parallel_loop3A_265], %parallel_loop3A_268 {strides = array<i32>} : memref<4x4096xf32, #tpu.memory_space<vmem>>, vector<1x16xf32>,
        %parallel_loop3A_269 = arith.constant 3 : i32
        %parallel_loop3A_270 = arith.index_cast %parallel_loop3A_269 : i32 to index
        %parallel_loop3A_271 = arith.index_cast %parallel_loop3A_229 : i32 to index
        %parallel_loop3A_272 = tpu.vector_load %arg7[%parallel_loop3A_270, %parallel_loop3A_271] {strides = array<i32>} : memref<4x4096xf32, #tpu.memory_space<vmem>>, vector<1x16xf32>,
        %parallel_loop3A_273 = vector.shape_cast %parallel_loop3A_272 : vector<1x16xf32> to vector<16xf32>
        %parallel_loop3A_274 = arith.addf %parallel_loop3A_273, %parallel_loop3A_232 : vector<16xf32>
        %parallel_loop3A_275 = arith.constant 3 : i32
        %parallel_loop3A_276 = arith.index_cast %parallel_loop3A_275 : i32 to index
        %parallel_loop3A_277 = arith.index_cast %parallel_loop3A_229 : i32 to index
        %parallel_loop3A_278 = tpu.vector_load %arg7[%parallel_loop3A_276, %parallel_loop3A_277] {strides = array<i32>} : memref<4x4096xf32, #tpu.memory_space<vmem>>, vector<1x16xf32>,
        %parallel_loop3A_279 = vector.shape_cast %parallel_loop3A_278 : vector<1x16xf32> to vector<16xf32>
        %parallel_loop3A_280 = vector.shape_cast %parallel_loop3A_274 : vector<16xf32> to vector<1x16xf32>
        tpu.vector_store %arg7[%parallel_loop3A_276, %parallel_loop3A_277], %parallel_loop3A_280 {strides = array<i32>} : memref<4x4096xf32, #tpu.memory_space<vmem>>, vector<1x16xf32>,
      } {sc.loop_unroll_factor = 8 : i64, sc.parallel_access}
      %add3A_179 = arith.addi %mul3A_2, %add3A_152 : i32
      %dma_start3A_180 = arith.constant 0 : i32
      %dma_start3A_181 = arith.constant 0 : i32
      %dma_start3A_182 = tpu.memref_slice %arg4[%dma_start3A_180, %add3A_179, %dma_start3A_181] : memref<4x2048x4096xf32, #tpu.memory_space<hbm>> -> memref<4x1x4096xf32, #tpu.memory_space<hbm>>
      %dma_start3A_183 = tpu.memref_squeeze %dma_start3A_182 : memref<4x1x4096xf32, #tpu.memory_space<hbm>> -> memref<4x4096xf32, #tpu.memory_space<hbm>>
      %dma_start3A_184 = arith.constant 0 : i32
      %dma_start3A_185 = arith.constant 0 : i32
      %dma_start3A_186 = tpu.memref_slice %arg4[%dma_start3A_184, %add3A_179, %dma_start3A_185] : memref<4x2048x4096xf32, #tpu.memory_space<hbm>> -> memref<4x1x4096xf32, #tpu.memory_space<hbm>>
      %dma_start3A_187 = tpu.memref_squeeze %dma_start3A_186 : memref<4x1x4096xf32, #tpu.memory_space<hbm>> -> memref<4x4096xf32, #tpu.memory_space<hbm>>
      tpu.enqueue_dma source(%arg7 : memref<4x4096xf32, #tpu.memory_space<vmem>>) target(%dma_start3A_187 : memref<4x4096xf32, #tpu.memory_space<hbm>>) target_semaphore(%arg23 : memref<!tpu.dma_semaphore, #tpu.memory_space<semaphore_mem>>)
      %mul3A_188 = arith.constant 4 : i32
      %mul3A_189 = arith.muli %scan3A_74, %mul3A_188 : i32
      %add3A_190 = arith.constant 3 : i32
      %add3A_191 = arith.addi %mul3A_189, %add3A_190 : i32
      %add3A_192 = arith.constant 2 : i32
      %add3A_193 = arith.addi %add3A_191, %add3A_192 : i32
      %lt3A_194 = arith.constant 64 : i32
      %lt3A_195 = arith.cmpi slt, %add3A_193, %lt3A_194 : i32
      %convert_element_type3A_196 = arith.extui %lt3A_195 : i1 to i32
      %cond3A_197 = arith.constant 0 : i32
      %cond3A_198 = arith.cmpi ne, %convert_element_type3A_196, %cond3A_197 : i32
      scf.if %cond3A_198 {
        %ge3A = arith.constant 2 : i32
        %ge3A_227 = arith.cmpi sge, %add3A_191, %ge3A : i32
        %convert_element_type3A_228 = arith.extui %ge3A_227 : i1 to i32
        %cond3A_229 = arith.constant 0 : i32
        %cond3A_230 = arith.cmpi ne, %convert_element_type3A_228, %cond3A_229 : i32
        scf.if %cond3A_230 {
          %dma_wait3A_248 = arith.constant 0 : i32
          %dma_wait3A_249 = arith.constant 0 : i32
          %dma_wait3A_250 = arith.constant 0 : i32
          %dma_wait3A_251 = tpu.memref_slice %arg4[%dma_wait3A_249, %dma_wait3A_248, %dma_wait3A_250] : memref<4x2048x4096xf32, #tpu.memory_space<hbm>> -> memref<4x1x4096xf32, #tpu.memory_space<hbm>>
          %dma_wait3A_252 = tpu.memref_squeeze %dma_wait3A_251 : memref<4x1x4096xf32, #tpu.memory_space<hbm>> -> memref<4x4096xf32, #tpu.memory_space<hbm>>
          %dma_wait3A_253 = arith.constant 0 : i32
          %dma_wait3A_254 = arith.constant 0 : i32
          %dma_wait3A_255 = tpu.memref_slice %arg4[%dma_wait3A_253, %dma_wait3A_248, %dma_wait3A_254] : memref<4x2048x4096xf32, #tpu.memory_space<hbm>> -> memref<4x1x4096xf32, #tpu.memory_space<hbm>>
          %dma_wait3A_256 = tpu.memref_squeeze %dma_wait3A_255 : memref<4x1x4096xf32, #tpu.memory_space<hbm>> -> memref<4x4096xf32, #tpu.memory_space<hbm>>
          tpu.wait_dma2 semaphore(%arg22 : memref<!tpu.dma_semaphore, #tpu.memory_space<semaphore_mem>>) src(%arg6 : memref<4x4096xf32, #tpu.memory_space<vmem>>) dst(%dma_wait3A_256 : memref<4x4096xf32, #tpu.memory_space<hbm>>)
        } else {
        }
        %add3A_231 = arith.constant 2 : i32
        %add3A_232 = arith.addi %add3A_191, %add3A_231 : i32
        %add3A_233 = arith.addi %mul3A_2, %add3A_232 : i32
        %dma_start3A_234 = arith.constant 0 : i32
        %dma_start3A_235 = arith.constant 0 : i32
        %dma_start3A_236 = tpu.memref_slice %arg2[%dma_start3A_234, %add3A_233, %dma_start3A_235] : memref<4x2048x4096xf32, #tpu.memory_space<hbm>> -> memref<4x1x4096xf32, #tpu.memory_space<hbm>>
        %dma_start3A_237 = tpu.memref_squeeze %dma_start3A_236 : memref<4x1x4096xf32, #tpu.memory_space<hbm>> -> memref<4x4096xf32, #tpu.memory_space<hbm>>
        %dma_start3A_238 = arith.constant 0 : i32
        %dma_start3A_239 = arith.constant 0 : i32
        %dma_start3A_240 = tpu.memref_slice %arg2[%dma_start3A_238, %add3A_233, %dma_start3A_239] : memref<4x2048x4096xf32, #tpu.memory_space<hbm>> -> memref<4x1x4096xf32, #tpu.memory_space<hbm>>
        %dma_start3A_241 = tpu.memref_squeeze %dma_start3A_240 : memref<4x1x4096xf32, #tpu.memory_space<hbm>> -> memref<4x4096xf32, #tpu.memory_space<hbm>>
        tpu.enqueue_dma source(%dma_start3A_241 : memref<4x4096xf32, #tpu.memory_space<hbm>>) target(%arg6 : memref<4x4096xf32, #tpu.memory_space<vmem>>) target_semaphore(%arg14 : memref<!tpu.dma_semaphore, #tpu.memory_space<semaphore_mem>>)
        %dma_start3A_242 = arith.constant 0 : i32
        %dma_start3A_243 = tpu.memref_slice %arg3[%add3A_233, %dma_start3A_242] : memref<2048x4096xf32, #tpu.memory_space<hbm>> -> memref<1x4096xf32, #tpu.memory_space<hbm>>
        %dma_start3A_244 = tpu.memref_squeeze %dma_start3A_243 : memref<1x4096xf32, #tpu.memory_space<hbm>> -> memref<4096xf32, #tpu.memory_space<hbm>>
        %dma_start3A_245 = arith.constant 0 : i32
        %dma_start3A_246 = tpu.memref_slice %arg3[%add3A_233, %dma_start3A_245] : memref<2048x4096xf32, #tpu.memory_space<hbm>> -> memref<1x4096xf32, #tpu.memory_space<hbm>>
        %dma_start3A_247 = tpu.memref_squeeze %dma_start3A_246 : memref<1x4096xf32, #tpu.memory_space<hbm>> -> memref<4096xf32, #tpu.memory_space<hbm>>
        tpu.enqueue_dma source(%dma_start3A_247 : memref<4096xf32, #tpu.memory_space<hbm>>) target(%arg10 : memref<4096xf32, #tpu.memory_space<vmem>>) target_semaphore(%arg18 : memref<!tpu.dma_semaphore, #tpu.memory_space<semaphore_mem>>)
      } else {
      }
      %dma_wait3A_199 = arith.constant 0 : i32
      %dma_wait3A_200 = arith.constant 0 : i32
      %dma_wait3A_201 = arith.constant 0 : i32
      %dma_wait3A_202 = tpu.memref_slice %arg2[%dma_wait3A_200, %dma_wait3A_199, %dma_wait3A_201] : memref<4x2048x4096xf32, #tpu.memory_space<hbm>> -> memref<4x1x4096xf32, #tpu.memory_space<hbm>>
      %dma_wait3A_203 = tpu.memref_squeeze %dma_wait3A_202 : memref<4x1x4096xf32, #tpu.memory_space<hbm>> -> memref<4x4096xf32, #tpu.memory_space<hbm>>
      %dma_wait3A_204 = arith.constant 0 : i32
      %dma_wait3A_205 = arith.constant 0 : i32
      %dma_wait3A_206 = tpu.memref_slice %arg2[%dma_wait3A_204, %dma_wait3A_199, %dma_wait3A_205] : memref<4x2048x4096xf32, #tpu.memory_space<hbm>> -> memref<4x1x4096xf32, #tpu.memory_space<hbm>>
      %dma_wait3A_207 = tpu.memref_squeeze %dma_wait3A_206 : memref<4x1x4096xf32, #tpu.memory_space<hbm>> -> memref<4x4096xf32, #tpu.memory_space<hbm>>
      tpu.wait_dma2 semaphore(%arg16 : memref<!tpu.dma_semaphore, #tpu.memory_space<semaphore_mem>>) src(%dma_wait3A_207 : memref<4x4096xf32, #tpu.memory_space<hbm>>) dst(%arg8 : memref<4x4096xf32, #tpu.memory_space<vmem>>)
      %dma_wait3A_208 = arith.constant 0 : i32
      %dma_wait3A_209 = arith.constant 0 : i32
      %dma_wait3A_210 = tpu.memref_slice %arg3[%dma_wait3A_208, %dma_wait3A_209] : memref<2048x4096xf32, #tpu.memory_space<hbm>> -> memref<1x4096xf32, #tpu.memory_space<hbm>>
      %dma_wait3A_211 = tpu.memref_squeeze %dma_wait3A_210 : memref<1x4096xf32, #tpu.memory_space<hbm>> -> memref<4096xf32, #tpu.memory_space<hbm>>
      %dma_wait3A_212 = arith.constant 0 : i32
      %dma_wait3A_213 = tpu.memref_slice %arg3[%dma_wait3A_208, %dma_wait3A_212] : memref<2048x4096xf32, #tpu.memory_space<hbm>> -> memref<1x4096xf32, #tpu.memory_space<hbm>>
      %dma_wait3A_214 = tpu.memref_squeeze %dma_wait3A_213 : memref<1x4096xf32, #tpu.memory_space<hbm>> -> memref<4096xf32, #tpu.memory_space<hbm>>
      tpu.wait_dma2 semaphore(%arg20 : memref<!tpu.dma_semaphore, #tpu.memory_space<semaphore_mem>>) src(%dma_wait3A_214 : memref<4096xf32, #tpu.memory_space<hbm>>) dst(%arg12 : memref<4096xf32, #tpu.memory_space<vmem>>)
      %parallel_loop3A_215 = arith.constant 0 : i32
      %parallel_loop3A_216 = arith.constant 256 : i32
      %parallel_loop3A_217 = arith.constant 1 : i32
      scf.for %parallel_loop3A_227 = %parallel_loop3A_215 to %parallel_loop3A_216 step %parallel_loop3A_217  : i32 {
        %parallel_loop3A_228 = arith.constant 16 : i32
        %parallel_loop3A_229 = arith.muli %parallel_loop3A_227, %parallel_loop3A_228 : i32
        %parallel_loop3A_230 = arith.index_cast %parallel_loop3A_229 : i32 to index
        %parallel_loop3A_231 = tpu.vector_load %arg12[%parallel_loop3A_230] {strides = array<i32>} : memref<4096xf32, #tpu.memory_space<vmem>>, vector<16xf32>,
        %parallel_loop3A_232 = vector.shape_cast %parallel_loop3A_231 : vector<16xf32> to vector<16xf32>
        %parallel_loop3A_233 = arith.constant 0 : i32
        %parallel_loop3A_234 = arith.index_cast %parallel_loop3A_233 : i32 to index
        %parallel_loop3A_235 = arith.index_cast %parallel_loop3A_229 : i32 to index
        %parallel_loop3A_236 = tpu.vector_load %arg8[%parallel_loop3A_234, %parallel_loop3A_235] {strides = array<i32>} : memref<4x4096xf32, #tpu.memory_space<vmem>>, vector<1x16xf32>,
        %parallel_loop3A_237 = vector.shape_cast %parallel_loop3A_236 : vector<1x16xf32> to vector<16xf32>
        %parallel_loop3A_238 = arith.addf %parallel_loop3A_237, %parallel_loop3A_232 : vector<16xf32>
        %parallel_loop3A_239 = arith.constant 0 : i32
        %parallel_loop3A_240 = arith.index_cast %parallel_loop3A_239 : i32 to index
        %parallel_loop3A_241 = arith.index_cast %parallel_loop3A_229 : i32 to index
        %parallel_loop3A_242 = tpu.vector_load %arg8[%parallel_loop3A_240, %parallel_loop3A_241] {strides = array<i32>} : memref<4x4096xf32, #tpu.memory_space<vmem>>, vector<1x16xf32>,
        %parallel_loop3A_243 = vector.shape_cast %parallel_loop3A_242 : vector<1x16xf32> to vector<16xf32>
        %parallel_loop3A_244 = vector.shape_cast %parallel_loop3A_238 : vector<16xf32> to vector<1x16xf32>
        tpu.vector_store %arg8[%parallel_loop3A_240, %parallel_loop3A_241], %parallel_loop3A_244 {strides = array<i32>} : memref<4x4096xf32, #tpu.memory_space<vmem>>, vector<1x16xf32>,
        %parallel_loop3A_245 = arith.constant 1 : i32
        %parallel_loop3A_246 = arith.index_cast %parallel_loop3A_245 : i32 to index
        %parallel_loop3A_247 = arith.index_cast %parallel_loop3A_229 : i32 to index
        %parallel_loop3A_248 = tpu.vector_load %arg8[%parallel_loop3A_246, %parallel_loop3A_247] {strides = array<i32>} : memref<4x4096xf32, #tpu.memory_space<vmem>>, vector<1x16xf32>,
        %parallel_loop3A_249 = vector.shape_cast %parallel_loop3A_248 : vector<1x16xf32> to vector<16xf32>
        %parallel_loop3A_250 = arith.addf %parallel_loop3A_249, %parallel_loop3A_232 : vector<16xf32>
        %parallel_loop3A_251 = arith.constant 1 : i32
        %parallel_loop3A_252 = arith.index_cast %parallel_loop3A_251 : i32 to index
        %parallel_loop3A_253 = arith.index_cast %parallel_loop3A_229 : i32 to index
        %parallel_loop3A_254 = tpu.vector_load %arg8[%parallel_loop3A_252, %parallel_loop3A_253] {strides = array<i32>} : memref<4x4096xf32, #tpu.memory_space<vmem>>, vector<1x16xf32>,
        %parallel_loop3A_255 = vector.shape_cast %parallel_loop3A_254 : vector<1x16xf32> to vector<16xf32>
        %parallel_loop3A_256 = vector.shape_cast %parallel_loop3A_250 : vector<16xf32> to vector<1x16xf32>
        tpu.vector_store %arg8[%parallel_loop3A_252, %parallel_loop3A_253], %parallel_loop3A_256 {strides = array<i32>} : memref<4x4096xf32, #tpu.memory_space<vmem>>, vector<1x16xf32>,
        %parallel_loop3A_257 = arith.constant 2 : i32
        %parallel_loop3A_258 = arith.index_cast %parallel_loop3A_257 : i32 to index
        %parallel_loop3A_259 = arith.index_cast %parallel_loop3A_229 : i32 to index
        %parallel_loop3A_260 = tpu.vector_load %arg8[%parallel_loop3A_258, %parallel_loop3A_259] {strides = array<i32>} : memref<4x4096xf32, #tpu.memory_space<vmem>>, vector<1x16xf32>,
        %parallel_loop3A_261 = vector.shape_cast %parallel_loop3A_260 : vector<1x16xf32> to vector<16xf32>
        %parallel_loop3A_262 = arith.addf %parallel_loop3A_261, %parallel_loop3A_232 : vector<16xf32>
        %parallel_loop3A_263 = arith.constant 2 : i32
        %parallel_loop3A_264 = arith.index_cast %parallel_loop3A_263 : i32 to index
        %parallel_loop3A_265 = arith.index_cast %parallel_loop3A_229 : i32 to index
        %parallel_loop3A_266 = tpu.vector_load %arg8[%parallel_loop3A_264, %parallel_loop3A_265] {strides = array<i32>} : memref<4x4096xf32, #tpu.memory_space<vmem>>, vector<1x16xf32>,
        %parallel_loop3A_267 = vector.shape_cast %parallel_loop3A_266 : vector<1x16xf32> to vector<16xf32>
        %parallel_loop3A_268 = vector.shape_cast %parallel_loop3A_262 : vector<16xf32> to vector<1x16xf32>
        tpu.vector_store %arg8[%parallel_loop3A_264, %parallel_loop3A_265], %parallel_loop3A_268 {strides = array<i32>} : memref<4x4096xf32, #tpu.memory_space<vmem>>, vector<1x16xf32>,
        %parallel_loop3A_269 = arith.constant 3 : i32
        %parallel_loop3A_270 = arith.index_cast %parallel_loop3A_269 : i32 to index
        %parallel_loop3A_271 = arith.index_cast %parallel_loop3A_229 : i32 to index
        %parallel_loop3A_272 = tpu.vector_load %arg8[%parallel_loop3A_270, %parallel_loop3A_271] {strides = array<i32>} : memref<4x4096xf32, #tpu.memory_space<vmem>>, vector<1x16xf32>,
        %parallel_loop3A_273 = vector.shape_cast %parallel_loop3A_272 : vector<1x16xf32> to vector<16xf32>
        %parallel_loop3A_274 = arith.addf %parallel_loop3A_273, %parallel_loop3A_232 : vector<16xf32>
        %parallel_loop3A_275 = arith.constant 3 : i32
        %parallel_loop3A_276 = arith.index_cast %parallel_loop3A_275 : i32 to index
        %parallel_loop3A_277 = arith.index_cast %parallel_loop3A_229 : i32 to index
        %parallel_loop3A_278 = tpu.vector_load %arg8[%parallel_loop3A_276, %parallel_loop3A_277] {strides = array<i32>} : memref<4x4096xf32, #tpu.memory_space<vmem>>, vector<1x16xf32>,
        %parallel_loop3A_279 = vector.shape_cast %parallel_loop3A_278 : vector<1x16xf32> to vector<16xf32>
        %parallel_loop3A_280 = vector.shape_cast %parallel_loop3A_274 : vector<16xf32> to vector<1x16xf32>
        tpu.vector_store %arg8[%parallel_loop3A_276, %parallel_loop3A_277], %parallel_loop3A_280 {strides = array<i32>} : memref<4x4096xf32, #tpu.memory_space<vmem>>, vector<1x16xf32>,
      } {sc.loop_unroll_factor = 8 : i64, sc.parallel_access}
      %add3A_218 = arith.addi %mul3A_2, %add3A_191 : i32
      %dma_start3A_219 = arith.constant 0 : i32
      %dma_start3A_220 = arith.constant 0 : i32
      %dma_start3A_221 = tpu.memref_slice %arg4[%dma_start3A_219, %add3A_218, %dma_start3A_220] : memref<4x2048x4096xf32, #tpu.memory_space<hbm>> -> memref<4x1x4096xf32, #tpu.memory_space<hbm>>
      %dma_start3A_222 = tpu.memref_squeeze %dma_start3A_221 : memref<4x1x4096xf32, #tpu.memory_space<hbm>> -> memref<4x4096xf32, #tpu.memory_space<hbm>>
      %dma_start3A_223 = arith.constant 0 : i32
      %dma_start3A_224 = arith.constant 0 : i32
      %dma_start3A_225 = tpu.memref_slice %arg4[%dma_start3A_223, %add3A_218, %dma_start3A_224] : memref<4x2048x4096xf32, #tpu.memory_space<hbm>> -> memref<4x1x4096xf32, #tpu.memory_space<hbm>>
      %dma_start3A_226 = tpu.memref_squeeze %dma_start3A_225 : memref<4x1x4096xf32, #tpu.memory_space<hbm>> -> memref<4x4096xf32, #tpu.memory_space<hbm>>
      tpu.enqueue_dma source(%arg8 : memref<4x4096xf32, #tpu.memory_space<vmem>>) target(%dma_start3A_226 : memref<4x4096xf32, #tpu.memory_space<hbm>>) target_semaphore(%arg24 : memref<!tpu.dma_semaphore, #tpu.memory_space<semaphore_mem>>)
    }
    %scan3A_38 = arith.constant 16 : i32
    %dma_wait3A = arith.constant 0 : i32
    %dma_wait3A_39 = arith.constant 0 : i32
    %dma_wait3A_40 = arith.constant 0 : i32
    %dma_wait3A_41 = tpu.memref_slice %arg4[%dma_wait3A_39, %dma_wait3A, %dma_wait3A_40] : memref<4x2048x4096xf32, #tpu.memory_space<hbm>> -> memref<4x1x4096xf32, #tpu.memory_space<hbm>>
    %dma_wait3A_42 = tpu.memref_squeeze %dma_wait3A_41 : memref<4x1x4096xf32, #tpu.memory_space<hbm>> -> memref<4x4096xf32, #tpu.memory_space<hbm>>
    %dma_wait3A_43 = arith.constant 0 : i32
    %dma_wait3A_44 = arith.constant 0 : i32
    %dma_wait3A_45 = tpu.memref_slice %arg4[%dma_wait3A_43, %dma_wait3A, %dma_wait3A_44] : memref<4x2048x4096xf32, #tpu.memory_space<hbm>> -> memref<4x1x4096xf32, #tpu.memory_space<hbm>>
    %dma_wait3A_46 = tpu.memref_squeeze %dma_wait3A_45 : memref<4x1x4096xf32, #tpu.memory_space<hbm>> -> memref<4x4096xf32, #tpu.memory_space<hbm>>
    tpu.wait_dma2 semaphore(%arg21 : memref<!tpu.dma_semaphore, #tpu.memory_space<semaphore_mem>>) src(%arg5 : memref<4x4096xf32, #tpu.memory_space<vmem>>) dst(%dma_wait3A_46 : memref<4x4096xf32, #tpu.memory_space<hbm>>)
    %dma_wait3A_47 = arith.constant 0 : i32
    %dma_wait3A_48 = arith.constant 0 : i32
    %dma_wait3A_49 = arith.constant 0 : i32
    %dma_wait3A_50 = tpu.memref_slice %arg4[%dma_wait3A_48, %dma_wait3A_47, %dma_wait3A_49] : memref<4x2048x4096xf32, #tpu.memory_space<hbm>> -> memref<4x1x4096xf32, #tpu.memory_space<hbm>>
    %dma_wait3A_51 = tpu.memref_squeeze %dma_wait3A_50 : memref<4x1x4096xf32, #tpu.memory_space<hbm>> -> memref<4x4096xf32, #tpu.memory_space<hbm>>
    %dma_wait3A_52 = arith.constant 0 : i32
    %dma_wait3A_53 = arith.constant 0 : i32
    %dma_wait3A_54 = tpu.memref_slice %arg4[%dma_wait3A_52, %dma_wait3A_47, %dma_wait3A_53] : memref<4x2048x4096xf32, #tpu.memory_space<hbm>> -> memref<4x1x4096xf32, #tpu.memory_space<hbm>>
    %dma_wait3A_55 = tpu.memref_squeeze %dma_wait3A_54 : memref<4x1x4096xf32, #tpu.memory_space<hbm>> -> memref<4x4096xf32, #tpu.memory_space<hbm>>
    tpu.wait_dma2 semaphore(%arg22 : memref<!tpu.dma_semaphore, #tpu.memory_space<semaphore_mem>>) src(%arg6 : memref<4x4096xf32, #tpu.memory_space<vmem>>) dst(%dma_wait3A_55 : memref<4x4096xf32, #tpu.memory_space<hbm>>)
    %dma_wait3A_56 = arith.constant 0 : i32
    %dma_wait3A_57 = arith.constant 0 : i32
    %dma_wait3A_58 = arith.constant 0 : i32
    %dma_wait3A_59 = tpu.memref_slice %arg4[%dma_wait3A_57, %dma_wait3A_56, %dma_wait3A_58] : memref<4x2048x4096xf32, #tpu.memory_space<hbm>> -> memref<4x1x4096xf32, #tpu.memory_space<hbm>>
    %dma_wait3A_60 = tpu.memref_squeeze %dma_wait3A_59 : memref<4x1x4096xf32, #tpu.memory_space<hbm>> -> memref<4x4096xf32, #tpu.memory_space<hbm>>
    %dma_wait3A_61 = arith.constant 0 : i32
    %dma_wait3A_62 = arith.constant 0 : i32
    %dma_wait3A_63 = tpu.memref_slice %arg4[%dma_wait3A_61, %dma_wait3A_56, %dma_wait3A_62] : memref<4x2048x4096xf32, #tpu.memory_space<hbm>> -> memref<4x1x4096xf32, #tpu.memory_space<hbm>>
    %dma_wait3A_64 = tpu.memref_squeeze %dma_wait3A_63 : memref<4x1x4096xf32, #tpu.memory_space<hbm>> -> memref<4x4096xf32, #tpu.memory_space<hbm>>
    tpu.wait_dma2 semaphore(%arg23 : memref<!tpu.dma_semaphore, #tpu.memory_space<semaphore_mem>>) src(%arg7 : memref<4x4096xf32, #tpu.memory_space<vmem>>) dst(%dma_wait3A_64 : memref<4x4096xf32, #tpu.memory_space<hbm>>)
    %dma_wait3A_65 = arith.constant 0 : i32
    %dma_wait3A_66 = arith.constant 0 : i32
    %dma_wait3A_67 = arith.constant 0 : i32
    %dma_wait3A_68 = tpu.memref_slice %arg4[%dma_wait3A_66, %dma_wait3A_65, %dma_wait3A_67] : memref<4x2048x4096xf32, #tpu.memory_space<hbm>> -> memref<4x1x4096xf32, #tpu.memory_space<hbm>>
    %dma_wait3A_69 = tpu.memref_squeeze %dma_wait3A_68 : memref<4x1x4096xf32, #tpu.memory_space<hbm>> -> memref<4x4096xf32, #tpu.memory_space<hbm>>
    %dma_wait3A_70 = arith.constant 0 : i32
    %dma_wait3A_71 = arith.constant 0 : i32
    %dma_wait3A_72 = tpu.memref_slice %arg4[%dma_wait3A_70, %dma_wait3A_65, %dma_wait3A_71] : memref<4x2048x4096xf32, #tpu.memory_space<hbm>> -> memref<4x1x4096xf32, #tpu.memory_space<hbm>>
    %dma_wait3A_73 = tpu.memref_squeeze %dma_wait3A_72 : memref<4x1x4096xf32, #tpu.memory_space<hbm>> -> memref<4x4096xf32, #tpu.memory_space<hbm>>
    tpu.wait_dma2 semaphore(%arg24 : memref<!tpu.dma_semaphore, #tpu.memory_space<semaphore_mem>>) src(%arg8 : memref<4x4096xf32, #tpu.memory_space<vmem>>) dst(%dma_wait3A_73 : memref<4x4096xf32, #tpu.memory_space<hbm>>)
    return
  }
}

</mosaic_0001>

<sc_bundles>
// kernel: kernel.3.cloned.1.call-start
scs
__scs_entry_jumppad:
0x0: {  	(pc) =	sbr.rel $0x88, $3  }
0x1: {  	(tag) =	ssettag $0x0;
	lr =	simm.s32 $0x1  }
0x2: {  	[smem:$0x3F9F] =	sst lr;
	_ =	strace $0xD0000000  }
0x3: {  	_ = 	snop  }
0x4: {  	_ = 	snop  }
0x5: {  	_ = 	snop  }
0x6: {  	_ = 	snop  }
0x7: {  	_ = 	snop  }
__scs_overlays_trampoline_lowered:
0x8: {  	[smem:$0x3FAE] =	sst s0  }
0x9: {  	[smem:$0x3FAF] =	sst s1  }
0xa: {  	[smem:$0x3FB0] =	sst s2  }
0xb: {  	[smem:$0x3FB1] =	sst s3  }
0xc: {  	[smem:$0x3FB2] =	sst s4  }
0xd: {  	[smem:$0x3FB3] =	sst s5  }
0xe: {  	[smem:$0x3FB4] =	sst s6  }
0xf: {  	[smem:$0x3FB5] =	sst s7  }
0x10: {  	[smem:$0x3FB6] =	sst s8  }
0x11: {  	[smem:$0x3FB7] =	sst s9;
	s0 =	simm.s32 @!p0 $0x0  }
0x12: {  	s1 =	sld [smem:$0x3F9D];
	s0 =	simm.s32 @p0 $0x1  }
0x13: {  	[smem:$0x3FB8] =	sst s0;
	s0 =	simm.s32 @!p1 $0x0  }
0x14: {  	s2 =	sld [smem:$0x3F9C];
	s0 =	simm.s32 @p1 $0x1  }
0x15: {  	[smem:$0x3FB9] =	sst s0;
	s0 =	simm.s32 @!p2 $0x0  }
0x16: {  	s3 =	sld [smem:$0x3FDB];
	s0 =	simm.s32 @p2 $0x1  }
0x17: {  	s4 =	simm.s32 $0x1BF5;
	[smem:$0x3FBB] =	sst s0  }
0x18: {  	s0 =	sld [smem:$0x3F9E];
	_ =	swait.ge [sflag:s4], $0x0  }
0x19: {  	s7 =	sld [smem:$0x3F9F]  }
0x1a: {  	s8 =	sadd.s32 $0xFFFFE003, lr  }
0x1b: {  	s9 =	sadd.s32 $0xFFFFFEF7, lr;
	s5 =	simm.s32 $0xFFFFFFFF;
	p2 =	slt.u32 s8, $0xFFFFF086  }
0x1c: {  	p1 =	slt.u32 s9, $0xF7A;
	s5 =	simm.s32 @!p2 $0x0  }
0x1d: {  	s5 =	simm.s32 @p1 $0x1;
	p0 =	seq.s32 s7, s2  }
0x1e: {  	s7 =	smul.u32 @!p0 $0xF7A, s2;
	p2 =	seq.s32 @!p0 s5, $0x0  }
0x1f: {  	s9 =	smul.u32 $0xF7A, s1;
	s8 =	simm.s32 @!p0 $0x1BF5;
	p2 =	por !p2, p0  }
0x20: {  	[sflag:s8] =	ssyncset.s32 @!p0 $0xFFFFF086;
	s6 =	sadd.s32 @!p0 s3, s7;
	s7 =	simm.s32 @!p0 $0x108  }
0x21: {  	s3 =	sadd.s32 s3, s9;
	s6 =	sadd.s32 @!p0 $0x88, s6;
	s7 =	simm.s32 @p2 $0x1082  }
0x22: {  	[simem:s7], [sflag:s8] =	dma.local @!p0 [hbm:s6], $0xF7A  }
0x23: {  	s9 =	sor.u32 $0xD0000000, s2;
	s6 =	simm.s32 $0x108;
	_ =	swait.ge @!p0 [sflag:s8], $0x0  }
0x24: {  	s3 =	sadd.s32 $0x88, s3;
	s6 =	simm.s32 @!p1 $0x1082;
	[sflag:s4] =	ssyncset.s32 $0xFFFFF086  }
0x25: {  	[simem:s6], [sflag:s4] =	dma.local [hbm:s3], $0xF7A  }
0x26: {  	[smem:$0x3F9F] =	sst s1;
	(tag) =	ssettag s2;
	_ =	strace s9  }
0x27: {  	s1 =	sld [smem:$0x3FAF]  }
0x28: {  	s2 =	sld [smem:$0x3FB0]  }
0x29: {  	s4 =	sld [smem:$0x3FB2]  }
0x2a: {  	p0 =	seq.s32 s5, $0x0;
	s5 =	sld [smem:$0x3FB3]  }
0x2b: {  	s6 =	sld [smem:$0x3FB4]  }
0x2c: {  	s7 =	sld [smem:$0x3FB5]  }
0x2d: {  	s3 =	simm.s32 $0x108;
	s8 =	sld [smem:$0x3FB6]  }
0x2e: {  	s3 =	simm.s32 @!p0 $0x1082;
	s9 =	sld [smem:$0x3FB7]  }
0x2f: {  	lr =	sadd.s32 s0, s3;
	s0 =	sld [smem:$0x3FAE]  }
0x30: {  	s3 =	sld [smem:$0x3FB1]  }
0x31: {  	[smem:$0x3FBA] =	sst s10  }
0x32: {  	s10 =	sld [smem:$0x3FB8];
	_ =	sdelay $0x3  }
0x33: {  	p0 =	seq.s32 s10, $0x1;
	s10 =	sld [smem:$0x3FBA];
	_ =	sdelay $0x3  }
0x34: {  	[smem:$0x3FBA] =	sst s10  }
0x35: {  	s10 =	sld [smem:$0x3FB9];
	_ =	sdelay $0x3  }
0x36: {  	p1 =	seq.s32 s10, $0x1;
	s10 =	sld [smem:$0x3FBA];
	_ =	sdelay $0x3  }
0x37: {  	[smem:$0x3FBA] =	sst s10  }
0x38: {  	s10 =	sld [smem:$0x3FBB]  }
0x39: {  	_ = 	snop;
	(pc) =	sbr.ind lr, $3  }
0x3a: {  	_ = 	snop  }
0x3b: {  	_ = 	snop  }
0x3c: {  	p2 =	seq.s32 s10, $0x1;
	s10 =	sld [smem:$0x3FBA]  }
0x3d: {  	_ =	shalt  }
0x3e: {  	_ =	shalt  }
0x3f: {  	_ =	shalt  }
0x40: {  	_ =	shalt  }
0x41: {  	_ =	shalt  }
0x42: {  	_ =	shalt  }
0x43: {  	_ =	shalt  }
0x44: {  	_ =	shalt  }
0x45: {  	_ =	shalt  }
0x46: {  	_ =	shalt  }
0x47: {  	_ =	shalt  }
0x48: {  	_ =	shalt  }
0x49: {  	_ =	shalt  }
0x4a: {  	_ =	shalt  }
0x4b: {  	_ =	shalt  }
0x4c: {  	_ =	shalt  }
0x4d: {  	_ =	shalt  }
0x4e: {  	_ =	shalt  }
0x4f: {  	_ =	shalt  }
0x50: {  	_ =	shalt  }
0x51: {  	_ =	shalt  }
0x52: {  	_ =	shalt  }
0x53: {  	_ =	shalt  }
0x54: {  	_ =	shalt  }
0x55: {  	_ =	shalt  }
0x56: {  	_ =	shalt  }
0x57: {  	_ =	shalt  }
0x58: {  	_ =	shalt  }
0x59: {  	_ =	shalt  }
0x5a: {  	_ =	shalt  }
0x5b: {  	_ =	shalt  }
0x5c: {  	_ =	shalt  }
0x5d: {  	_ =	shalt  }
0x5e: {  	_ =	shalt  }
0x5f: {  	_ =	shalt  }
0x60: {  	_ =	shalt  }
0x61: {  	_ =	shalt  }
0x62: {  	_ =	shalt  }
0x63: {  	_ =	shalt  }
0x64: {  	_ =	shalt  }
0x65: {  	_ =	shalt  }
0x66: {  	_ =	shalt  }
0x67: {  	_ =	shalt  }
0x68: {  	_ =	shalt  }
0x69: {  	_ =	shalt  }
0x6a: {  	_ =	shalt  }
0x6b: {  	_ =	shalt  }
0x6c: {  	_ =	shalt  }
0x6d: {  	_ =	shalt  }
0x6e: {  	_ =	shalt  }
0x6f: {  	_ =	shalt  }
0x70: {  	_ =	shalt  }
0x71: {  	_ =	shalt  }
0x72: {  	_ =	shalt  }
0x73: {  	_ =	shalt  }
0x74: {  	_ =	shalt  }
0x75: {  	_ =	shalt  }
0x76: {  	_ =	shalt  }
0x77: {  	_ =	shalt  }
0x78: {  	_ =	shalt  }
0x79: {  	_ =	shalt  }
0x7a: {  	_ =	shalt  }
0x7b: {  	_ =	shalt  }
0x7c: {  	_ =	shalt  }
0x7d: {  	_ =	shalt  }
0x7e: {  	_ =	shalt  }
0x7f: {  	_ =	shalt  }
0x80: {  	_ =	shalt  }
0x81: {  	_ =	shalt  }
0x82: {  	_ =	shalt  }
0x83: {  	_ =	shalt  }
0x84: {  	_ =	shalt  }
0x85: {  	_ =	shalt  }
0x86: {  	_ =	shalt  }
0x87: {  	_ =	shalt  }
.Lfunc_end0:
.L_simem_size_0:
called_computation_lowered:
.L_overlay_start_0:
0x88: {  	s2 =	sld [smem:$0x3FD9]  }
0x89: {  	s3 =	sld [smem:$0x3FFE];
	_ =	sdelay $0x1  }
0x8a: {  	s1 =	srdreg.scid  }
0x8b: {  	s0 =	sand.u32 $0x1, s1  }
0x8c: {  	s18 =	sshll.u32 s0, $0xA;
	s2 =	sadd.s32 s3, s2  }
0x8d: {  	s2 =	sadd.s32 s2, s18  }
0x8e: {  	[smem:$0x3FC6] =	sst s2  }
0x8f: {  	_ = 	snop  }
0x90: {  	s2 =	sld [smem:$0x3FC9]  }
0x91: {  	s19 =	sld [smem:$0x3FC8]  }
0x92: {  	s4 =	sld [smem:$0x3FD0];
	(tm) =	ssettm $0x1  }
0x93: {  	s5 =	sld [smem:$0x3FFB];
	_ =	sdelay $0x3  }
0x94: {  	_ =	strace s5  }
0x95: {  	s5 =	sld [smem:$0x3FFC];
	_ =	sdelay $0x3  }
0x96: {  	_ =	strace s5  }
0x97: {  	s5 =	sld [smem:$0x3FFD];
	_ =	sdelay $0x3  }
0x98: {  	_ =	strace s5  }
0x99: {  	_ =	strace $0x8FFFFFFF  }
0x9a: {  	s20 =	sld [smem:$0x3FDB];
	_ =	sdelay $0x1  }
0x9b: {  	s6 =	simm.s32 $_scs_section_size  }
0x9c: {  	s7 =	simm.s32 $_size__tile_overlayer_lowered;
	s8 =	simm.s32 $_tile_overlayer_lowered  }
0x9d: {  	s23 =	simm.s32 $0x1BFF;
	s22 =	sshll.u32 s8, $0x1;
	s5 =	sadd.s32 s6, s20  }
0x9e: {  	s9 =	simm.s32 $0x0;
	s21 =	sshll.u32 s7, $0x1;
	s7 =	sadd.s32 s22, s5  }
0x9f: {  	[timem:s9], [sflag:s23] =	dma.local [hbm:s7], s21  }
0xa0: {  	_ =	swait.ge [sflag:s23], s21  }
0xa1: {  	s6 =	ssub.s32 $0x0, s21;
	[sflag:s23] =	ssyncset.done $0x0  }
0xa2: {  	[sflag:s23] =	ssyncadd.s32 s6;
	_ =	sdelay $0x1  }
0xa3: {  	s24 =	simm.s32 $0x1B8B  }
0xa4: {  	_ =	swait.ge [sflag:s24], $0x1  }
0xa5: {  	[sflag:s24] =	ssyncset.done $0x0  }
0xa6: {  	s25 =	simm.s32 $0x1B8E;
	[sflag:s24] =	ssyncadd.s32 $0xFFFFFFFF  }
0xa7: {  	s26 =	simm.s32 $execute0_lowered;
	[smem:$0x3FD2] =	sst s25  }
0xa8: {  	s6 =	sshll.u32 s26, $0x1;
	_ =	strace $0x80000046;
	[dreg:$0x1] =	wrdreg $0xFFFFFFFF  }
0xa9: {  	s28 =	simm.s32 $_size_execute0_lowered;
	s5 =	sadd.s32 s5, s6;
	[dreg:$0x0] =	wrdreg $0x0  }
0xaa: {  	s6 =	sshll.u32 s28, $0x1;
	[dreg:$0x2] =	wrdreg s5  }
0xab: {  	[dreg:$0x3] =	wrdreg s6  }
0xac: {  	[dreg:$0x4] =	wrdreg $0xC0  }
0xad: {  	_ =	task [dreg:s9], $0x5FFFF  }
0xae: {  	[dreg:$0x1] =	wrdreg $0xFFFFFFFF  }
0xaf: {  	[dreg:$0x0] =	wrdreg $0x60  }
0xb0: {  	[dreg:$0x2] =	wrdreg s2  }
0xb1: {  	[dreg:$0x3] =	wrdreg s19  }
0xb2: {  	[dreg:$0x4] =	wrdreg s4  }
0xb3: {  	[dreg:$0x5] =	wrdreg $0x9  }
0xb4: {  	_ =	task.clear_ibuf [dreg:s9], $0x6FFFF;
	_ =	strace $0x90000046  }
0xb5: {  	s29 =	simm.s32 $0x9;
	_ =	strace $0x80000048  }
0xb6: {  	_ =	swait.ge [sflag:s29], $0x1  }
0xb7: {  	[sflag:s29] =	ssyncadd.s32 $0xFFFFFFFF  }
0xb8: {  	_ =	strace $0x90000048  }
0xb9: {  	_ =	sfence  }
0xba: {  	s30 =	sld [smem:$0x0];
	_ =	sdelay $0x2  }
0xbb: {  	s31 =	sshll.u32 s1, $0xD;
	s1 =	sshrl.u32 s1, $0x2  }
0xbc: {  	s3 =	sand.u32 $0x4000, s31;
	s1 =	sadd.s32 s1, s30  }
0xbd: {  	s0 =	sor.u32 s3, s0;
	s1 =	sshll.u32 s1, $0x11  }
0xbe: {  	s0 =	sor.u32 s1, s0  }
0xbf: {  	s0 =	sadd.s32 $0x8F2B, s0  }
0xc0: {  	[sflag:s0] =	ssyncadd.remote.s32 $0x1  }
0xc1: {  	_ =	sfence.sel $0xFFFF  }
0xc2: {  	[dreg:$0x0] =	wrdreg $0xFFFFFFFF;
	(pc) =	sbr.abs _section_cstart, $3  }
0xc3: {  	[dreg:$0x1] =	wrdreg $0xFFFFFFFF  }
0xc4: {  	_ =	task.clear_ibuf [dreg:s9], $0x2FFFF;
	_ =	strace $0x9FFFFFFF  }
0xc5: {  	(tm) =	ssettm $0x7FFFFFFF  }
tec
execute0_lowered:
.L_overlay_start_1:
0x0: {  	(tag) =	ssettag $0x1  }
0x1: {  	s2 =	rddreg [dreg:$0x0]  }
0x2: {  	s3 =	rddreg [dreg:$0x1];
	s0 =	srdreg.scid  }
0x3: {  	s4 =	rddreg [dreg:$0x2];
	s1 =	stileid.u32;
	s8 =	simm.s32 $0x0  }
0x4: {  	s12 =	simm.s32 $0x80;
	s13 =	simm.s32 $0x800000;
	s14 =	simm.s32 $0x400  }
0x5: {  	s18 =	simm.s32 $0x1;
	s19 =	simm.s32 $0x5;
	s20 =	simm.s32 $0x13000  }
0x6: {  	s21 =	simm.s32 $0x2;
	s22 =	simm.s32 $0x6;
	s23 =	simm.s32 $0x3  }
0x7: {  	s24 =	simm.s32 $0x7;
	s25 =	simm.s32 $0x4;
	s0 =	sand.u32 $0x1, s0  }
0x8: {  	s1 =	sshll.u32 s1, $0x7;
	s5 =	sshll.u32 s0, $0x6;
	s0 =	ssub.s32 $0x2, s0  }
0x9: {  	s26 =	simm.s32 $0x8;
	s6 =	sor.u32 s5, s1;
	s30 =	sshrl.u32 s0, $0x1  }
0xa: {  	[smem:$0x7FF] =	sst s8;
	s5 =	sshll.u32 s6, $0x9;
	s0 =	ssub.s32 s0, s30  }
0xb: {  	s31 =	sor.u32 $0x10, s5;
	s7 =	sadd.s32 s2, s5;
	s5 =	sadd.s32 s3, s5  }
0xc: {  	_ =	strace $0x80000047;
	s0 =	smax.u32 s0, $0x1;
	[dreg:$0x5] =	wrdreg s5  }
0xd: {  	s28 =	simm.s32 $0x9;
	s1 =	sadd.s32 s3, s31;
	[dreg:$0x7] =	wrdreg s0  }
0xe: {  	s29 =	simm.s32 $0xA;
	s9 =	sadd.s32 s2, s31;
	[dreg:$0x6] =	wrdreg s1  }
.LBB2_1:
0xf: {  	[dreg:$0x4] =	wrdreg s8;
	s0 =	simm.s32 $0x80  }
0x10: {  	s8 =	sadd.s32 $0x0, s7;
	s1 =	simm.s32 $0x200;
	s5 =	simm.s32 $0x0  }
.LBB2_2:
0x11: {  	[tilespmem:s5], [sflag:$0x1] =	stream.strided.gather [hbm4b:s8+s12], $0x200, s13, s12, $0x38;
	[tilespmem:$0x14000] =	vst v63  }
0x12: {  	s8 =	smov.u32 s0;
	s5 =	smov.u32 s1;
	p0 =	sne.s32 s0, $0xF80  }
.Ltmp0:
0x13: {  	s0 =	sadd.s32 $0x80, s0;
	(pc) =	sbr.rel @p0 .LBB2_2-.Ltmp0, $2  }
0x14: {  	_ =	sdelay $0x2  }
0x15: {  	s1 =	sadd.s32 $0x200, s1;
	s8 =	sadd.s32 s8, s7  }
0x16: {  	[tilespmem:s5], [sflag:$0x1] =	stream.strided.gather [hbm4b:s8+s12], $0x200, s13, s12, $0x38;
	[tilespmem:$0x14000] =	vst v63  }
0x17: {  	s0 =	rddreg [dreg:$0x5];
	s1 =	simm.s32 $0x10000;
	s8 =	sadd.s32 $0x0, s9  }
0x18: {  	[tilespmem:s1], [sflag:$0x5] =	stream.strided.gather [hbm4b:s0+s12], $0x1000, s14, s12, $0x38;
	[tilespmem:$0x14000] =	vst v63  }
0x19: {  	s5 =	simm.s32 $0x4200;
	s0 =	simm.s32 $0x4000;
	s1 =	simm.s32 $0x80  }
.LBB2_4:
0x1a: {  	[tilespmem:s0], [sflag:$0x2] =	stream.strided.gather [hbm4b:s8+s12], $0x200, s13, s12, $0x38;
	[tilespmem:$0x14000] =	vst v63  }
0x1b: {  	s8 =	smov.u32 s1;
	s0 =	smov.u32 s5;
	p0 =	sne.s32 s1, $0xF80  }
.Ltmp1:
0x1c: {  	s1 =	sadd.s32 $0x80, s1;
	(pc) =	sbr.rel @p0 .LBB2_4-.Ltmp1, $2  }
0x1d: {  	_ =	sdelay $0x2  }
0x1e: {  	s5 =	sadd.s32 $0x200, s5;
	s8 =	sadd.s32 s8, s9  }
0x1f: {  	[tilespmem:s0], [sflag:$0x2] =	stream.strided.gather [hbm4b:s8+s12], $0x200, s13, s12, $0x38;
	[tilespmem:$0x14000] =	vst v63  }
0x20: {  	s31 =	rddreg [dreg:$0x6];
	s1 =	simm.s32 $0x11000;
	s0 =	simm.s32 $0x0  }
0x21: {  	[tilespmem:s1], [sflag:$0x6] =	stream.strided.gather [hbm4b:s31+s12], $0x1000, s14, s12, $0x38;
	[tilespmem:$0x14000] =	vst v63  }
.LBB2_6:
0x22: {  	s1 =	sshll.u32 s0, $0x2  }
0x23: {  	s5 =	sadd.s32 s6, s1  }
0x24: {  	s8 =	sshll.u32 s0, $0x6;
	s5 =	sshll.u32 s5, $0x9  }
0x25: {  	p0 =	seq.s32 s0, $0x0;
	s30 =	sand.u32 $0x40, s8;
	s11 =	sand.u32 $0xFF000, s5  }
0x26: {  	s15 =	simm.s32 @!p0 $0xB;
	s8 =	sor.u32 s11, s30  }
0x27: {  	s16 =	simm.s32 $0x80;
	_ =	swait.ge @!p0 [sflag:s15], $0x4000;
	s10 =	sor.u32 $0x20, s8  }
0x28: {  	s31 =	simm.s32 $0x8200;
	[sflag:s15] =	ssyncset.done @!p0 $0x0;
	s5 =	sadd.s32 s2, s10  }
0x29: {  	[sflag:s15] =	ssyncadd.s32 @!p0 $0xFFFFC000;
	s15 =	simm.s32 $0x8000;
	s17 =	sadd.s32 $0x0, s5  }
.LBB2_7:
0x2a: {  	[tilespmem:s15], [sflag:$0x3] =	stream.strided.gather [hbm4b:s17+s12], $0x200, s13, s12, $0x38;
	[tilespmem:$0x14000] =	vst v63  }
0x2b: {  	s17 =	smov.u32 s16;
	s15 =	smov.u32 s31;
	p1 =	sne.s32 s16, $0xF80  }
.Ltmp2:
0x2c: {  	s16 =	sadd.s32 $0x80, s16;
	(pc) =	sbr.rel @p1 .LBB2_7-.Ltmp2, $2  }
0x2d: {  	_ =	sdelay $0x2  }
0x2e: {  	s31 =	sadd.s32 $0x200, s31;
	s17 =	sadd.s32 s17, s5  }
0x2f: {  	[tilespmem:s15], [sflag:$0x3] =	stream.strided.gather [hbm4b:s17+s12], $0x200, s13, s12, $0x38;
	[tilespmem:$0x14000] =	vst v63  }
0x30: {  	s5 =	sadd.s32 s3, s10;
	s16 =	simm.s32 $0x12000  }
0x31: {  	[tilespmem:s16], [sflag:$0x7] =	stream.strided.gather [hbm4b:s5+s12], $0x1000, s14, s12, $0x38;
	[tilespmem:$0x14000] =	vst v63  }
0x32: {  	_ =	swait.ge [sflag:s18], $0x4000  }
0x33: {  	[sflag:s18] =	ssyncset.done $0x0  }
0x34: {  	[sflag:s18] =	ssyncadd.s32 $0xFFFFC000  }
0x35: {  	_ =	swait.ge [sflag:s19], $0x1000  }
0x36: {  	[sflag:s19] =	ssyncset.done $0x0  }
0x37: {  	s17 =	simm.s32 $0x10040;
	[sflag:s19] =	ssyncadd.s32 $0xFFFFF000  }
0x38: {  	s31 =	simm.s32 $0x100;
	v1 =	vld [tilespmem:s17+$0x30]  }
0x39: {  	v5 =	vld [tilespmem:s31+$0xF0]  }
0x3a: {  	v2 =	vld [tilespmem:s31+$0xFFFFFF00]  }
0x3b: {  	v3 =	vld [tilespmem:s31+$0xFFFFFF80]  }
0x3c: {  	v4 =	vld [tilespmem:s31+$0x0]  }
0x3d: {  	v0 =	vld [tilespmem:s31+$0x80]  }
0x3e: {  	v6 =	vld [tilespmem:s17+$0xFFFFFFD0]  }
0x3f: {  	v7 =	vld [tilespmem:s31+$0xFFFFFF10]  }
0x40: {  	v8 =	vld [tilespmem:s31+$0xFFFFFF90]  }
0x41: {  	v9 =	vld [tilespmem:s31+$0x10]  }
0x42: {  	v10 =	vld [tilespmem:s31+$0x90]  }
0x43: {  	v11 =	vld [tilespmem:s17+$0xFFFFFFE0]  }
0x44: {  	v12 =	vld [tilespmem:s31+$0xFFFFFF20]  }
0x45: {  	v13 =	vld [tilespmem:s31+$0xFFFFFFA0]  }
0x46: {  	v14 =	vld [tilespmem:s31+$0x20]  }
0x47: {  	v15 =	vld [tilespmem:s31+$0xA0]  }
0x48: {  	v16 =	vld [tilespmem:s17+$0xFFFFFFF0];
	v5 =	vadd.f32 v5, v1  }
0x49: {  	v17 =	vld [tilespmem:s31+$0xFFFFFF30];
	v7 =	vadd.f32 v7, v6  }
0x4a: {  	[tilespmem:s31+$0xF0] =	vst v5;
	v5 =	vadd.f32 v8, v6;
	v8 =	vld [tilespmem:s31+$0xFFFFFFB0]  }
0x4b: {  	[tilespmem:s31+$0xFFFFFF10] =	vst v7;
	v7 =	vadd.f32 v9, v6;
	v9 =	vld [tilespmem:s31+$0x30]  }
0x4c: {  	[tilespmem:s31+$0xFFFFFF90] =	vst v5;
	v5 =	vadd.f32 v10, v6;
	v6 =	vld [tilespmem:s31+$0xB0]  }
0x4d: {  	[tilespmem:s31+$0x10] =	vst v7;
	v7 =	vadd.f32 v12, v11;
	v10 =	vld [tilespmem:s17+$0x0]  }
0x4e: {  	v12 =	vld [tilespmem:s31+$0xFFFFFF40];
	[tilespmem:s31+$0x90] =	vst v5;
	v5 =	vadd.f32 v13, v11  }
0x4f: {  	[tilespmem:s31+$0xFFFFFF20] =	vst v7;
	v7 =	vadd.f32 v14, v11;
	v13 =	vld [tilespmem:s31+$0xFFFFFFC0]  }
0x50: {  	v14 =	vld [tilespmem:s31+$0xC0];
	[tilespmem:s31+$0xFFFFFFA0] =	vst v5;
	v5 =	vadd.f32 v15, v11  }
0x51: {  	v11 =	vld [tilespmem:s31+$0x40];
	[tilespmem:s31+$0x20] =	vst v7;
	v7 =	vadd.f32 v17, v16  }
0x52: {  	v15 =	vld [tilespmem:s31+$0xD0];
	[tilespmem:s31+$0xA0] =	vst v5;
	v5 =	vadd.f32 v8, v16  }
0x53: {  	v8 =	vld [tilespmem:s17+$0x10];
	[tilespmem:s31+$0xFFFFFF30] =	vst v7;
	v7 =	vadd.f32 v9, v16  }
0x54: {  	v9 =	vld [tilespmem:s31+$0xFFFFFF50];
	[tilespmem:s31+$0xFFFFFFB0] =	vst v5;
	v5 =	vadd.f32 v6, v16  }
0x55: {  	v6 =	vld [tilespmem:s31+$0xFFFFFFD0];
	[tilespmem:s31+$0x30] =	vst v7;
	v7 =	vadd.f32 v12, v10  }
0x56: {  	v13 =	vadd.f32 v13, v10;
	v12 =	vld [tilespmem:s31+$0x50];
	[tilespmem:s31+$0xB0] =	vst v5  }
0x57: {  	[tilespmem:s31+$0xFFFFFF40] =	vst v7;
	v7 =	vadd.f32 v11, v10;
	v5 =	vld [tilespmem:s17+$0x20]  }
0x58: {  	[tilespmem:s31+$0xFFFFFFC0] =	vst v13;
	v10 =	vadd.f32 v14, v10;
	v11 =	vld [tilespmem:s31+$0xFFFFFF60]  }
0x59: {  	v13 =	vld [tilespmem:s31+$0xFFFFFFE0];
	[tilespmem:s31+$0x40] =	vst v7;
	v7 =	vadd.f32 v9, v8  }
0x5a: {  	v14 =	vld [tilespmem:s31+$0x60];
	[tilespmem:s31+$0xC0] =	vst v10;
	v6 =	vadd.f32 v6, v8  }
0x5b: {  	v10 =	vld [tilespmem:s31+$0xE0];
	[tilespmem:s31+$0xFFFFFF50] =	vst v7;
	v7 =	vadd.f32 v12, v8  }
0x5c: {  	[tilespmem:s31+$0xFFFFFFD0] =	vst v6;
	v6 =	vadd.f32 v15, v8;
	v8 =	vld [tilespmem:s31+$0xFFFFFF70]  }
0x5d: {  	v9 =	vld [tilespmem:s31+$0xFFFFFFF0];
	v12 =	vadd.f32 v11, v5;
	[tilespmem:s31+$0x50] =	vst v7  }
0x5e: {  	v11 =	vadd.f32 v13, v5;
	v7 =	vld [tilespmem:s31+$0x70];
	[tilespmem:s31+$0xD0] =	vst v6  }
0x5f: {  	s15 =	simm.s32 $0x100C0;
	s5 =	simm.s32 $0x0;
	s16 =	simm.s32 $0x100;
	v6 =	vld [tilespmem:s17+$0xFFFFFFC0];
	[tilespmem:s31+$0xFFFFFF60] =	vst v12;
	v12 =	vadd.f32 v14, v5  }
.LBB2_9:
0x60: {  	v13 =	vld [tilespmem:s15+$0x30];
	[tilespmem:s31+$0xFFFFFFE0] =	vst v11;
	v5 =	vadd.f32 v10, v5;
	s16 =	sadd.s32 $0x200, s16  }
0x61: {  	s5 =	sadd.s32 $0x8, s5;
	v10 =	vld [tilespmem:s16+$0xF0];
	[tilespmem:s31+$0x60] =	vst v12;
	v8 =	vadd.f32 v8, v1  }
0x62: {  	p1 =	slt.u32 s5, $0xF8;
	v11 =	vld [tilespmem:s16+$0xFFFFFF00];
	[tilespmem:s31+$0xE0] =	vst v5;
	v5 =	vadd.f32 v9, v1  }
0x63: {  	v9 =	vld [tilespmem:s16+$0xFFFFFF80];
	[tilespmem:s31+$0xFFFFFF70] =	vst v8;
	v8 =	vadd.f32 v7, v1  }
0x64: {  	v7 =	vld [tilespmem:s16+$0x0];
	v12 =	vadd.f32 v2, v6;
	v3 =	vadd.f32 v3, v6;
	[tilespmem:s31+$0xFFFFFFF0] =	vst v5  }
0x65: {  	v4 =	vadd.f32 v4, v6;
	v5 =	vadd.f32 v0, v6;
	v0 =	vld [tilespmem:s16+$0x80];
	[tilespmem:s31+$0x70] =	vst v8;
	v1 =	vmov v13  }
0x66: {  	v6 =	vld [tilespmem:s15+$0xFFFFFFD0];
	v8 =	vadd.f32 v10, v1;
	[tilespmem:s31+$0xFFFFFF00] =	vst v12  }
0x67: {  	v10 =	vld [tilespmem:s16+$0xFFFFFF10];
	[tilespmem:s31+$0xFFFFFF80] =	vst v3;
	v2 =	vmov v11  }
0x68: {  	v11 =	vld [tilespmem:s16+$0xFFFFFF90];
	[tilespmem:s16+$0xF0] =	vst v8;
	v3 =	vmov v9  }
0x69: {  	v8 =	vld [tilespmem:s16+$0x10];
	[tilespmem:s31+$0x0] =	vst v4;
	v4 =	vmov v7  }
0x6a: {  	v7 =	vld [tilespmem:s16+$0x90];
	[tilespmem:s31+$0x80] =	vst v5;
	s31 =	smov.u32 s16  }
0x6b: {  	v5 =	vld [tilespmem:s15+$0xFFFFFFE0]  }
0x6c: {  	v9 =	vadd.f32 v10, v6;
	v10 =	vld [tilespmem:s16+$0xFFFFFF20]  }
0x6d: {  	v11 =	vadd.f32 v11, v6;
	v12 =	vld [tilespmem:s16+$0xFFFFFFA0]  }
0x6e: {  	[tilespmem:s16+$0xFFFFFF10] =	vst v9;
	v8 =	vadd.f32 v8, v6;
	v9 =	vld [tilespmem:s16+$0x20]  }
0x6f: {  	[tilespmem:s16+$0xFFFFFF90] =	vst v11;
	v6 =	vadd.f32 v7, v6;
	v7 =	vld [tilespmem:s16+$0xA0]  }
0x70: {  	[tilespmem:s16+$0x10] =	vst v8;
	v8 =	vld [tilespmem:s15+$0xFFFFFFF0]  }
0x71: {  	[tilespmem:s16+$0x90] =	vst v6;
	v6 =	vadd.f32 v10, v5;
	v10 =	vld [tilespmem:s16+$0xFFFFFF30]  }
0x72: {  	v11 =	vadd.f32 v12, v5;
	v12 =	vld [tilespmem:s16+$0xFFFFFFB0]  }
0x73: {  	[tilespmem:s16+$0xFFFFFF20] =	vst v6;
	v6 =	vadd.f32 v9, v5;
	v9 =	vld [tilespmem:s16+$0x30]  }
0x74: {  	[tilespmem:s16+$0xFFFFFFA0] =	vst v11;
	v5 =	vadd.f32 v7, v5;
	v7 =	vld [tilespmem:s16+$0xB0]  }
0x75: {  	[tilespmem:s16+$0x20] =	vst v6;
	v6 =	vld [tilespmem:s15+$0x0]  }
0x76: {  	[tilespmem:s16+$0xA0] =	vst v5;
	v5 =	vadd.f32 v10, v8;
	v10 =	vld [tilespmem:s16+$0xFFFFFF40]  }
0x77: {  	v11 =	vadd.f32 v12, v8;
	v12 =	vld [tilespmem:s16+$0xFFFFFFC0]  }
0x78: {  	[tilespmem:s16+$0xFFFFFF30] =	vst v5;
	v5 =	vadd.f32 v9, v8;
	v9 =	vld [tilespmem:s16+$0x40]  }
0x79: {  	[tilespmem:s16+$0xFFFFFFB0] =	vst v11;
	v7 =	vadd.f32 v7, v8;
	v8 =	vld [tilespmem:s16+$0xC0]  }
0x7a: {  	[tilespmem:s16+$0x30] =	vst v5;
	v11 =	vld [tilespmem:s15+$0x10]  }
0x7b: {  	[tilespmem:s16+$0xB0] =	vst v7;
	v5 =	vadd.f32 v10, v6;
	v7 =	vld [tilespmem:s16+$0xFFFFFF50]  }
0x7c: {  	v10 =	vadd.f32 v12, v6;
	v12 =	vld [tilespmem:s16+$0xFFFFFFD0]  }
0x7d: {  	[tilespmem:s16+$0xFFFFFF40] =	vst v5;
	v5 =	vadd.f32 v9, v6;
	v9 =	vld [tilespmem:s16+$0x50]  }
0x7e: {  	[tilespmem:s16+$0xFFFFFFC0] =	vst v10;
	v6 =	vadd.f32 v8, v6;
	v8 =	vld [tilespmem:s16+$0xD0]  }
0x7f: {  	[tilespmem:s16+$0x40] =	vst v5;
	v5 =	vld [tilespmem:s15+$0x20]  }
0x80: {  	[tilespmem:s16+$0xC0] =	vst v6;
	v6 =	vadd.f32 v7, v11;
	v7 =	vld [tilespmem:s16+$0xFFFFFF60]  }
0x81: {  	v10 =	vadd.f32 v12, v11;
	v12 =	vld [tilespmem:s16+$0xFFFFFFE0]  }
0x82: {  	[tilespmem:s16+$0xFFFFFF50] =	vst v6;
	v6 =	vadd.f32 v9, v11;
	v13 =	vld [tilespmem:s16+$0x60]  }
.Ltmp3:
0x83: {  	[tilespmem:s16+$0xFFFFFFD0] =	vst v10;
	v9 =	vadd.f32 v8, v11;
	v10 =	vld [tilespmem:s16+$0xE0];
	(pc) =	sbr.rel @p1 .LBB2_9-.Ltmp3, $4  }
0x84: {  	[tilespmem:s16+$0x50] =	vst v6;
	v8 =	vld [tilespmem:s16+$0xFFFFFF70]  }
0x85: {  	[tilespmem:s16+$0xD0] =	vst v9;
	v14 =	vadd.f32 v7, v5;
	v9 =	vld [tilespmem:s16+$0xFFFFFFF0]  }
0x86: {  	v11 =	vadd.f32 v12, v5;
	v7 =	vld [tilespmem:s16+$0x70]  }
0x87: {  	v6 =	vld [tilespmem:s15+$0xFFFFFFC0];
	[tilespmem:s16+$0xFFFFFF60] =	vst v14;
	v12 =	vadd.f32 v13, v5;
	s15 =	sadd.s32 $0x80, s15  }
0x88: {  	[tilespmem:s31+$0xFFFFFFE0] =	vst v11;
	v5 =	vadd.f32 v10, v5  }
0x89: {  	[tilespmem:s31+$0x60] =	vst v12;
	v8 =	vadd.f32 v8, v1  }
0x8a: {  	[tilespmem:s31+$0xE0] =	vst v5;
	v61 =	vadd.f32 v9, v1  }
0x8b: {  	[tilespmem:s31+$0xFFFFFF70] =	vst v8;
	v62 =	vadd.f32 v7, v1  }
0x8c: {  	v2 =	vadd.f32 v2, v6;
	[tilespmem:s31+$0xFFFFFFF0] =	vst v61  }
0x8d: {  	v3 =	vadd.f32 v3, v6;
	[tilespmem:s31+$0x70] =	vst v62  }
0x8e: {  	v63 =	vadd.f32 v4, v6;
	[tilespmem:s31+$0xFFFFFF00] =	vst v2  }
0x8f: {  	s5 =	sadd.s32 s4, s30;
	v0 =	vadd.f32 v0, v6;
	[tilespmem:s31+$0xFFFFFF80] =	vst v3  }
0x90: {  	s15 =	simm.s32 $0x0;
	s5 =	sadd.s32 s11, s5;
	[tilespmem:s31+$0x0] =	vst v63  }
0x91: {  	s16 =	simm.s32 $0x80;
	s17 =	sadd.s32 $0x0, s5;
	[tilespmem:s31+$0x80] =	vst v0;
	s31 =	simm.s32 $0x200  }
.LBB2_11:
0x92: {  	[hbm4b:s17+s12] =	stream.strided.scatter [tilespmem:s15], [sflag:$0x9], $0x200, s13, s12, $0x38;
	[tilespmem:$0x14000] =	vst v63  }
0x93: {  	s17 =	smov.u32 s16;
	s15 =	smov.u32 s31;
	p1 =	sne.s32 s16, $0xF80  }
.Ltmp4:
0x94: {  	s16 =	sadd.s32 $0x80, s16;
	(pc) =	sbr.rel @p1 .LBB2_11-.Ltmp4, $2  }
0x95: {  	_ =	sdelay $0x2  }
0x96: {  	s31 =	sadd.s32 $0x200, s31;
	s17 =	sadd.s32 s17, s5  }
0x97: {  	[hbm4b:s17+s12] =	stream.strided.scatter [tilespmem:s15], [sflag:$0x9], $0x200, s13, s12, $0x38;
	[tilespmem:$0x14000] =	vst v63  }
0x98: {  	s5 =	simm.s32 @!p0 $0xC  }
0x99: {  	_ =	swait.ge @!p0 [sflag:s5], $0x4000  }
0x9a: {  	s8 =	sor.u32 $0x30, s8;
	[sflag:s5] =	ssyncset.done @!p0 $0x0  }
0x9b: {  	s15 =	simm.s32 $0xC000;
	[sflag:s5] =	ssyncadd.s32 @!p0 $0xFFFFC000;
	s5 =	sadd.s32 s2, s8  }
0x9c: {  	s16 =	simm.s32 $0x80;
	s31 =	simm.s32 $0xC200;
	s17 =	sadd.s32 $0x0, s5  }
.LBB2_13:
0x9d: {  	[tilespmem:s15], [sflag:$0x4] =	stream.strided.gather [hbm4b:s17+s12], $0x200, s13, s12, $0x38;
	[tilespmem:$0x14000] =	vst v63  }
0x9e: {  	s17 =	smov.u32 s16;
	s15 =	smov.u32 s31;
	p0 =	sne.s32 s16, $0xF80  }
.Ltmp5:
0x9f: {  	s16 =	sadd.s32 $0x80, s16;
	(pc) =	sbr.rel @p0 .LBB2_13-.Ltmp5, $2  }
0xa0: {  	_ =	sdelay $0x2  }
0xa1: {  	s31 =	sadd.s32 $0x200, s31;
	s17 =	sadd.s32 s17, s5  }
0xa2: {  	[tilespmem:s15], [sflag:$0x4] =	stream.strided.gather [hbm4b:s17+s12], $0x200, s13, s12, $0x38;
	[tilespmem:$0x14000] =	vst v63  }
0xa3: {  	s5 =	sadd.s32 s3, s8  }
0xa4: {  	[tilespmem:s20], [sflag:$0x8] =	stream.strided.gather [hbm4b:s5+s12], $0x1000, s14, s12, $0x38;
	[tilespmem:$0x14000] =	vst v63  }
0xa5: {  	_ =	swait.ge [sflag:s21], $0x4000  }
0xa6: {  	[sflag:s21] =	ssyncset.done $0x0  }
0xa7: {  	[sflag:s21] =	ssyncadd.s32 $0xFFFFC000  }
0xa8: {  	_ =	swait.ge [sflag:s22], $0x1000  }
0xa9: {  	[sflag:s22] =	ssyncset.done $0x0  }
0xaa: {  	s17 =	simm.s32 $0x11040;
	[sflag:s22] =	ssyncadd.s32 $0xFFFFF000  }
0xab: {  	s31 =	simm.s32 $0x4100;
	v1 =	vld [tilespmem:s17+$0x30]  }
0xac: {  	v5 =	vld [tilespmem:s31+$0xF0]  }
0xad: {  	v2 =	vld [tilespmem:s31+$0xFFFFFF00]  }
0xae: {  	v3 =	vld [tilespmem:s31+$0xFFFFFF80]  }
0xaf: {  	v4 =	vld [tilespmem:s31+$0x0]  }
0xb0: {  	v0 =	vld [tilespmem:s31+$0x80]  }
0xb1: {  	v6 =	vld [tilespmem:s17+$0xFFFFFFD0]  }
0xb2: {  	v7 =	vld [tilespmem:s31+$0xFFFFFF10]  }
0xb3: {  	v8 =	vld [tilespmem:s31+$0xFFFFFF90]  }
0xb4: {  	v9 =	vld [tilespmem:s31+$0x10]  }
0xb5: {  	v10 =	vld [tilespmem:s31+$0x90]  }
0xb6: {  	v11 =	vld [tilespmem:s17+$0xFFFFFFE0]  }
0xb7: {  	v12 =	vld [tilespmem:s31+$0xFFFFFF20]  }
0xb8: {  	v13 =	vld [tilespmem:s31+$0xFFFFFFA0]  }
0xb9: {  	v14 =	vld [tilespmem:s31+$0x20]  }
0xba: {  	v15 =	vld [tilespmem:s31+$0xA0]  }
0xbb: {  	v16 =	vld [tilespmem:s17+$0xFFFFFFF0];
	v5 =	vadd.f32 v5, v1  }
0xbc: {  	v17 =	vld [tilespmem:s31+$0xFFFFFF30];
	v7 =	vadd.f32 v7, v6  }
0xbd: {  	[tilespmem:s31+$0xF0] =	vst v5;
	v5 =	vadd.f32 v8, v6;
	v8 =	vld [tilespmem:s31+$0xFFFFFFB0]  }
0xbe: {  	[tilespmem:s31+$0xFFFFFF10] =	vst v7;
	v7 =	vadd.f32 v9, v6;
	v9 =	vld [tilespmem:s31+$0x30]  }
0xbf: {  	[tilespmem:s31+$0xFFFFFF90] =	vst v5;
	v5 =	vadd.f32 v10, v6;
	v6 =	vld [tilespmem:s31+$0xB0]  }
0xc0: {  	[tilespmem:s31+$0x10] =	vst v7;
	v7 =	vadd.f32 v12, v11;
	v10 =	vld [tilespmem:s17+$0x0]  }
0xc1: {  	v12 =	vld [tilespmem:s31+$0xFFFFFF40];
	[tilespmem:s31+$0x90] =	vst v5;
	v5 =	vadd.f32 v13, v11  }
0xc2: {  	[tilespmem:s31+$0xFFFFFF20] =	vst v7;
	v7 =	vadd.f32 v14, v11;
	v13 =	vld [tilespmem:s31+$0xFFFFFFC0]  }
0xc3: {  	v14 =	vld [tilespmem:s31+$0xC0];
	[tilespmem:s31+$0xFFFFFFA0] =	vst v5;
	v5 =	vadd.f32 v15, v11  }
0xc4: {  	v11 =	vld [tilespmem:s31+$0x40];
	[tilespmem:s31+$0x20] =	vst v7;
	v7 =	vadd.f32 v17, v16  }
0xc5: {  	v15 =	vld [tilespmem:s31+$0xD0];
	[tilespmem:s31+$0xA0] =	vst v5;
	v5 =	vadd.f32 v8, v16  }
0xc6: {  	v8 =	vld [tilespmem:s17+$0x10];
	[tilespmem:s31+$0xFFFFFF30] =	vst v7;
	v7 =	vadd.f32 v9, v16  }
0xc7: {  	v9 =	vld [tilespmem:s31+$0xFFFFFF50];
	[tilespmem:s31+$0xFFFFFFB0] =	vst v5;
	v5 =	vadd.f32 v6, v16  }
0xc8: {  	v6 =	vld [tilespmem:s31+$0xFFFFFFD0];
	[tilespmem:s31+$0x30] =	vst v7;
	v7 =	vadd.f32 v12, v10  }
0xc9: {  	v13 =	vadd.f32 v13, v10;
	v12 =	vld [tilespmem:s31+$0x50];
	[tilespmem:s31+$0xB0] =	vst v5  }
0xca: {  	[tilespmem:s31+$0xFFFFFF40] =	vst v7;
	v7 =	vadd.f32 v11, v10;
	v5 =	vld [tilespmem:s17+$0x20]  }
0xcb: {  	[tilespmem:s31+$0xFFFFFFC0] =	vst v13;
	v10 =	vadd.f32 v14, v10;
	v11 =	vld [tilespmem:s31+$0xFFFFFF60]  }
0xcc: {  	v13 =	vld [tilespmem:s31+$0xFFFFFFE0];
	[tilespmem:s31+$0x40] =	vst v7;
	v7 =	vadd.f32 v9, v8  }
0xcd: {  	v14 =	vld [tilespmem:s31+$0x60];
	[tilespmem:s31+$0xC0] =	vst v10;
	v6 =	vadd.f32 v6, v8  }
0xce: {  	v10 =	vld [tilespmem:s31+$0xE0];
	[tilespmem:s31+$0xFFFFFF50] =	vst v7;
	v7 =	vadd.f32 v12, v8  }
0xcf: {  	[tilespmem:s31+$0xFFFFFFD0] =	vst v6;
	v6 =	vadd.f32 v15, v8;
	v8 =	vld [tilespmem:s31+$0xFFFFFF70]  }
0xd0: {  	v9 =	vld [tilespmem:s31+$0xFFFFFFF0];
	v12 =	vadd.f32 v11, v5;
	[tilespmem:s31+$0x50] =	vst v7  }
0xd1: {  	v11 =	vadd.f32 v13, v5;
	v7 =	vld [tilespmem:s31+$0x70];
	[tilespmem:s31+$0xD0] =	vst v6  }
0xd2: {  	s15 =	simm.s32 $0x110C0;
	s16 =	simm.s32 $0x4100;
	s5 =	simm.s32 $0x0;
	v6 =	vld [tilespmem:s17+$0xFFFFFFC0];
	[tilespmem:s31+$0xFFFFFF60] =	vst v12;
	v12 =	vadd.f32 v14, v5  }
.LBB2_15:
0xd3: {  	v13 =	vld [tilespmem:s15+$0x30];
	[tilespmem:s31+$0xFFFFFFE0] =	vst v11;
	v5 =	vadd.f32 v10, v5;
	s16 =	sadd.s32 $0x200, s16  }
0xd4: {  	s5 =	sadd.s32 $0x8, s5;
	v10 =	vld [tilespmem:s16+$0xF0];
	[tilespmem:s31+$0x60] =	vst v12;
	v8 =	vadd.f32 v8, v1  }
0xd5: {  	p0 =	slt.u32 s5, $0xF8;
	v11 =	vld [tilespmem:s16+$0xFFFFFF00];
	[tilespmem:s31+$0xE0] =	vst v5;
	v5 =	vadd.f32 v9, v1  }
0xd6: {  	v9 =	vld [tilespmem:s16+$0xFFFFFF80];
	[tilespmem:s31+$0xFFFFFF70] =	vst v8;
	v8 =	vadd.f32 v7, v1  }
0xd7: {  	v7 =	vld [tilespmem:s16+$0x0];
	v12 =	vadd.f32 v2, v6;
	v3 =	vadd.f32 v3, v6;
	[tilespmem:s31+$0xFFFFFFF0] =	vst v5  }
0xd8: {  	v4 =	vadd.f32 v4, v6;
	v5 =	vadd.f32 v0, v6;
	v0 =	vld [tilespmem:s16+$0x80];
	[tilespmem:s31+$0x70] =	vst v8;
	v1 =	vmov v13  }
0xd9: {  	v6 =	vld [tilespmem:s15+$0xFFFFFFD0];
	v8 =	vadd.f32 v10, v1;
	[tilespmem:s31+$0xFFFFFF00] =	vst v12  }
0xda: {  	v10 =	vld [tilespmem:s16+$0xFFFFFF10];
	[tilespmem:s31+$0xFFFFFF80] =	vst v3;
	v2 =	vmov v11  }
0xdb: {  	v11 =	vld [tilespmem:s16+$0xFFFFFF90];
	[tilespmem:s16+$0xF0] =	vst v8;
	v3 =	vmov v9  }
0xdc: {  	v8 =	vld [tilespmem:s16+$0x10];
	[tilespmem:s31+$0x0] =	vst v4;
	v4 =	vmov v7  }
0xdd: {  	v7 =	vld [tilespmem:s16+$0x90];
	[tilespmem:s31+$0x80] =	vst v5;
	s31 =	smov.u32 s16  }
0xde: {  	v5 =	vld [tilespmem:s15+$0xFFFFFFE0]  }
0xdf: {  	v9 =	vadd.f32 v10, v6;
	v10 =	vld [tilespmem:s16+$0xFFFFFF20]  }
0xe0: {  	v11 =	vadd.f32 v11, v6;
	v12 =	vld [tilespmem:s16+$0xFFFFFFA0]  }
0xe1: {  	[tilespmem:s16+$0xFFFFFF10] =	vst v9;
	v8 =	vadd.f32 v8, v6;
	v9 =	vld [tilespmem:s16+$0x20]  }
0xe2: {  	[tilespmem:s16+$0xFFFFFF90] =	vst v11;
	v6 =	vadd.f32 v7, v6;
	v7 =	vld [tilespmem:s16+$0xA0]  }
0xe3: {  	[tilespmem:s16+$0x10] =	vst v8;
	v8 =	vld [tilespmem:s15+$0xFFFFFFF0]  }
0xe4: {  	[tilespmem:s16+$0x90] =	vst v6;
	v6 =	vadd.f32 v10, v5;
	v10 =	vld [tilespmem:s16+$0xFFFFFF30]  }
0xe5: {  	v11 =	vadd.f32 v12, v5;
	v12 =	vld [tilespmem:s16+$0xFFFFFFB0]  }
0xe6: {  	[tilespmem:s16+$0xFFFFFF20] =	vst v6;
	v6 =	vadd.f32 v9, v5;
	v9 =	vld [tilespmem:s16+$0x30]  }
0xe7: {  	[tilespmem:s16+$0xFFFFFFA0] =	vst v11;
	v5 =	vadd.f32 v7, v5;
	v7 =	vld [tilespmem:s16+$0xB0]  }
0xe8: {  	[tilespmem:s16+$0x20] =	vst v6;
	v6 =	vld [tilespmem:s15+$0x0]  }
0xe9: {  	[tilespmem:s16+$0xA0] =	vst v5;
	v5 =	vadd.f32 v10, v8;
	v10 =	vld [tilespmem:s16+$0xFFFFFF40]  }
0xea: {  	v11 =	vadd.f32 v12, v8;
	v12 =	vld [tilespmem:s16+$0xFFFFFFC0]  }
0xeb: {  	[tilespmem:s16+$0xFFFFFF30] =	vst v5;
	v5 =	vadd.f32 v9, v8;
	v9 =	vld [tilespmem:s16+$0x40]  }
0xec: {  	[tilespmem:s16+$0xFFFFFFB0] =	vst v11;
	v7 =	vadd.f32 v7, v8;
	v8 =	vld [tilespmem:s16+$0xC0]  }
0xed: {  	[tilespmem:s16+$0x30] =	vst v5;
	v11 =	vld [tilespmem:s15+$0x10]  }
0xee: {  	[tilespmem:s16+$0xB0] =	vst v7;
	v5 =	vadd.f32 v10, v6;
	v7 =	vld [tilespmem:s16+$0xFFFFFF50]  }
0xef: {  	v10 =	vadd.f32 v12, v6;
	v12 =	vld [tilespmem:s16+$0xFFFFFFD0]  }
0xf0: {  	[tilespmem:s16+$0xFFFFFF40] =	vst v5;
	v5 =	vadd.f32 v9, v6;
	v9 =	vld [tilespmem:s16+$0x50]  }
0xf1: {  	[tilespmem:s16+$0xFFFFFFC0] =	vst v10;
	v6 =	vadd.f32 v8, v6;
	v8 =	vld [tilespmem:s16+$0xD0]  }
0xf2: {  	[tilespmem:s16+$0x40] =	vst v5;
	v5 =	vld [tilespmem:s15+$0x20]  }
0xf3: {  	[tilespmem:s16+$0xC0] =	vst v6;
	v6 =	vadd.f32 v7, v11;
	v7 =	vld [tilespmem:s16+$0xFFFFFF60]  }
0xf4: {  	v10 =	vadd.f32 v12, v11;
	v12 =	vld [tilespmem:s16+$0xFFFFFFE0]  }
0xf5: {  	[tilespmem:s16+$0xFFFFFF50] =	vst v6;
	v6 =	vadd.f32 v9, v11;
	v13 =	vld [tilespmem:s16+$0x60]  }
.Ltmp6:
0xf6: {  	[tilespmem:s16+$0xFFFFFFD0] =	vst v10;
	v9 =	vadd.f32 v8, v11;
	v10 =	vld [tilespmem:s16+$0xE0];
	(pc) =	sbr.rel @p0 .LBB2_15-.Ltmp6, $4  }
0xf7: {  	[tilespmem:s16+$0x50] =	vst v6;
	v8 =	vld [tilespmem:s16+$0xFFFFFF70]  }
0xf8: {  	[tilespmem:s16+$0xD0] =	vst v9;
	v14 =	vadd.f32 v7, v5;
	v9 =	vld [tilespmem:s16+$0xFFFFFFF0]  }
0xf9: {  	v11 =	vadd.f32 v12, v5;
	v7 =	vld [tilespmem:s16+$0x70]  }
0xfa: {  	v6 =	vld [tilespmem:s15+$0xFFFFFFC0];
	[tilespmem:s16+$0xFFFFFF60] =	vst v14;
	v12 =	vadd.f32 v13, v5;
	s15 =	sadd.s32 $0x80, s15  }
0xfb: {  	[tilespmem:s31+$0xFFFFFFE0] =	vst v11;
	v5 =	vadd.f32 v10, v5  }
0xfc: {  	[tilespmem:s31+$0x60] =	vst v12;
	v8 =	vadd.f32 v8, v1  }
0xfd: {  	[tilespmem:s31+$0xE0] =	vst v5;
	v61 =	vadd.f32 v9, v1  }
0xfe: {  	[tilespmem:s31+$0xFFFFFF70] =	vst v8;
	v62 =	vadd.f32 v7, v1  }
0xff: {  	v2 =	vadd.f32 v2, v6;
	[tilespmem:s31+$0xFFFFFFF0] =	vst v61  }
0x100: {  	v3 =	vadd.f32 v3, v6;
	[tilespmem:s31+$0x70] =	vst v62  }
0x101: {  	s5 =	sadd.s32 s30, s4;
	v63 =	vadd.f32 v4, v6;
	[tilespmem:s31+$0xFFFFFF00] =	vst v2  }
0x102: {  	s5 =	sadd.s32 s11, s5;
	v0 =	vadd.f32 v0, v6;
	[tilespmem:s31+$0xFFFFFF80] =	vst v3  }
0x103: {  	s15 =	simm.s32 $0x80;
	s5 =	sadd.s32 $0x10, s5;
	[tilespmem:s31+$0x0] =	vst v63  }
0x104: {  	s16 =	simm.s32 $0x4200;
	s11 =	simm.s32 $0x4000;
	s17 =	sadd.s32 $0x0, s5;
	[tilespmem:s31+$0x80] =	vst v0  }
.LBB2_17:
0x105: {  	[hbm4b:s17+s12] =	stream.strided.scatter [tilespmem:s11], [sflag:$0xA], $0x200, s13, s12, $0x38;
	[tilespmem:$0x14000] =	vst v63  }
0x106: {  	s17 =	smov.u32 s15;
	s11 =	smov.u32 s16;
	p0 =	sne.s32 s15, $0xF80  }
.Ltmp7:
0x107: {  	s15 =	sadd.s32 $0x80, s15;
	(pc) =	sbr.rel @p0 .LBB2_17-.Ltmp7, $2  }
0x108: {  	_ =	sdelay $0x2  }
0x109: {  	s16 =	sadd.s32 $0x200, s16;
	s17 =	sadd.s32 s17, s5  }
0x10a: {  	p0 =	seq.s32 s0, $0xF  }
.Ltmp8:
0x10b: {  	_ = 	snop;
	(pc) =	sbr.rel @p0 .LBB2_22-.Ltmp8, $2  }
0x10c: {  	_ =	sdelay $0x2  }
0x10d: {  	[hbm4b:s17+s12] =	stream.strided.scatter [tilespmem:s11], [sflag:$0xA], $0x200, s13, s12, $0x38;
	[tilespmem:$0x14000] =	vst v63  }
0x10e: {  	s5 =	sadd.s32 $0x4, s1  }
0x10f: {  	s11 =	sadd.s32 s6, s5  }
0x110: {  	s5 =	sshll.u32 s5, $0x4;
	s11 =	sshll.u32 s11, $0x9  }
0x111: {  	s5 =	sand.u32 $0x40, s5;
	s11 =	sand.u32 $0x1FF000, s11  }
0x112: {  	_ =	swait.ge [sflag:s28], $0x4000;
	s15 =	simm.s32 $0x0;
	s5 =	sor.u32 s5, s11  }
0x113: {  	s16 =	simm.s32 $0x80;
	[sflag:s28] =	ssyncset.done $0x0;
	s11 =	sadd.s32 s2, s5  }
0x114: {  	s30 =	simm.s32 $0x200;
	[sflag:s28] =	ssyncadd.s32 $0xFFFFC000;
	s17 =	sadd.s32 $0x0, s11  }
.LBB2_20:
0x115: {  	[tilespmem:s15], [sflag:$0x1] =	stream.strided.gather [hbm4b:s17+s12], $0x200, s13, s12, $0x38;
	[tilespmem:$0x14000] =	vst v63  }
0x116: {  	s17 =	smov.u32 s16;
	s15 =	smov.u32 s30;
	p1 =	sne.s32 s16, $0xF80  }
.Ltmp9:
0x117: {  	s16 =	sadd.s32 $0x80, s16;
	(pc) =	sbr.rel @p1 .LBB2_20-.Ltmp9, $2  }
0x118: {  	_ =	sdelay $0x2  }
0x119: {  	s30 =	sadd.s32 $0x200, s30;
	s17 =	sadd.s32 s17, s11  }
0x11a: {  	[tilespmem:s15], [sflag:$0x1] =	stream.strided.gather [hbm4b:s17+s12], $0x200, s13, s12, $0x38;
	[tilespmem:$0x14000] =	vst v63  }
0x11b: {  	s5 =	sadd.s32 s3, s5;
	s11 =	simm.s32 $0x10000  }
0x11c: {  	[tilespmem:s11], [sflag:$0x5] =	stream.strided.gather [hbm4b:s5+s12], $0x1000, s14, s12, $0x38;
	[tilespmem:$0x14000] =	vst v63  }
.LBB2_22:
0x11d: {  	_ =	swait.ge [sflag:s23], $0x4000  }
0x11e: {  	[sflag:s23] =	ssyncset.done $0x0  }
0x11f: {  	[sflag:s23] =	ssyncadd.s32 $0xFFFFC000  }
0x120: {  	_ =	swait.ge [sflag:s24], $0x1000  }
0x121: {  	[sflag:s24] =	ssyncset.done $0x0  }
0x122: {  	s15 =	simm.s32 $0x12040;
	[sflag:s24] =	ssyncadd.s32 $0xFFFFF000  }
0x123: {  	s11 =	simm.s32 $0x8100;
	v1 =	vld [tilespmem:s15+$0x30]  }
0x124: {  	v5 =	vld [tilespmem:s11+$0xF0]  }
0x125: {  	v2 =	vld [tilespmem:s11+$0xFFFFFF00]  }
0x126: {  	v3 =	vld [tilespmem:s11+$0xFFFFFF80]  }
0x127: {  	v4 =	vld [tilespmem:s11+$0x0]  }
0x128: {  	v0 =	vld [tilespmem:s11+$0x80]  }
0x129: {  	v6 =	vld [tilespmem:s15+$0xFFFFFFD0]  }
0x12a: {  	v7 =	vld [tilespmem:s11+$0xFFFFFF10]  }
0x12b: {  	v8 =	vld [tilespmem:s11+$0xFFFFFF90]  }
0x12c: {  	v9 =	vld [tilespmem:s11+$0x10]  }
0x12d: {  	v10 =	vld [tilespmem:s11+$0x90]  }
0x12e: {  	v11 =	vld [tilespmem:s15+$0xFFFFFFE0]  }
0x12f: {  	v12 =	vld [tilespmem:s11+$0xFFFFFF20]  }
0x130: {  	v13 =	vld [tilespmem:s11+$0xFFFFFFA0]  }
0x131: {  	v14 =	vld [tilespmem:s11+$0x20]  }
0x132: {  	v15 =	vld [tilespmem:s11+$0xA0]  }
0x133: {  	v16 =	vld [tilespmem:s15+$0xFFFFFFF0];
	v5 =	vadd.f32 v5, v1  }
0x134: {  	v17 =	vld [tilespmem:s11+$0xFFFFFF30];
	v7 =	vadd.f32 v7, v6  }
0x135: {  	[tilespmem:s11+$0xF0] =	vst v5;
	v5 =	vadd.f32 v8, v6;
	v8 =	vld [tilespmem:s11+$0xFFFFFFB0]  }
0x136: {  	[tilespmem:s11+$0xFFFFFF10] =	vst v7;
	v7 =	vadd.f32 v9, v6;
	v9 =	vld [tilespmem:s11+$0x30]  }
0x137: {  	[tilespmem:s11+$0xFFFFFF90] =	vst v5;
	v5 =	vadd.f32 v10, v6;
	v6 =	vld [tilespmem:s11+$0xB0]  }
0x138: {  	[tilespmem:s11+$0x10] =	vst v7;
	v7 =	vadd.f32 v12, v11;
	v10 =	vld [tilespmem:s15+$0x0]  }
0x139: {  	v12 =	vld [tilespmem:s11+$0xFFFFFF40];
	[tilespmem:s11+$0x90] =	vst v5;
	v5 =	vadd.f32 v13, v11  }
0x13a: {  	[tilespmem:s11+$0xFFFFFF20] =	vst v7;
	v7 =	vadd.f32 v14, v11;
	v13 =	vld [tilespmem:s11+$0xFFFFFFC0]  }
0x13b: {  	v14 =	vld [tilespmem:s11+$0xC0];
	[tilespmem:s11+$0xFFFFFFA0] =	vst v5;
	v5 =	vadd.f32 v15, v11  }
0x13c: {  	v11 =	vld [tilespmem:s11+$0x40];
	[tilespmem:s11+$0x20] =	vst v7;
	v7 =	vadd.f32 v17, v16  }
0x13d: {  	v15 =	vld [tilespmem:s11+$0xD0];
	[tilespmem:s11+$0xA0] =	vst v5;
	v5 =	vadd.f32 v8, v16  }
0x13e: {  	v8 =	vld [tilespmem:s15+$0x10];
	[tilespmem:s11+$0xFFFFFF30] =	vst v7;
	v7 =	vadd.f32 v9, v16  }
0x13f: {  	v9 =	vld [tilespmem:s11+$0xFFFFFF50];
	[tilespmem:s11+$0xFFFFFFB0] =	vst v5;
	v5 =	vadd.f32 v6, v16  }
0x140: {  	v6 =	vld [tilespmem:s11+$0xFFFFFFD0];
	[tilespmem:s11+$0x30] =	vst v7;
	v7 =	vadd.f32 v12, v10  }
0x141: {  	v13 =	vadd.f32 v13, v10;
	v12 =	vld [tilespmem:s11+$0x50];
	[tilespmem:s11+$0xB0] =	vst v5  }
0x142: {  	[tilespmem:s11+$0xFFFFFF40] =	vst v7;
	v7 =	vadd.f32 v11, v10;
	v5 =	vld [tilespmem:s15+$0x20]  }
0x143: {  	[tilespmem:s11+$0xFFFFFFC0] =	vst v13;
	v10 =	vadd.f32 v14, v10;
	v11 =	vld [tilespmem:s11+$0xFFFFFF60]  }
0x144: {  	v13 =	vld [tilespmem:s11+$0xFFFFFFE0];
	[tilespmem:s11+$0x40] =	vst v7;
	v7 =	vadd.f32 v9, v8  }
0x145: {  	v14 =	vld [tilespmem:s11+$0x60];
	[tilespmem:s11+$0xC0] =	vst v10;
	v6 =	vadd.f32 v6, v8  }
0x146: {  	v10 =	vld [tilespmem:s11+$0xE0];
	[tilespmem:s11+$0xFFFFFF50] =	vst v7;
	v7 =	vadd.f32 v12, v8  }
0x147: {  	[tilespmem:s11+$0xFFFFFFD0] =	vst v6;
	v6 =	vadd.f32 v15, v8;
	v8 =	vld [tilespmem:s11+$0xFFFFFF70]  }
0x148: {  	v9 =	vld [tilespmem:s11+$0xFFFFFFF0];
	v12 =	vadd.f32 v11, v5;
	[tilespmem:s11+$0x50] =	vst v7  }
0x149: {  	v11 =	vadd.f32 v13, v5;
	v7 =	vld [tilespmem:s11+$0x70];
	[tilespmem:s11+$0xD0] =	vst v6  }
0x14a: {  	s5 =	simm.s32 $0x0;
	s16 =	simm.s32 $0x8100;
	v6 =	vld [tilespmem:s15+$0xFFFFFFC0];
	[tilespmem:s11+$0xFFFFFF60] =	vst v12;
	v12 =	vadd.f32 v14, v5;
	s15 =	simm.s32 $0x120C0  }
.LBB2_23:
0x14b: {  	v13 =	vld [tilespmem:s15+$0x30];
	[tilespmem:s11+$0xFFFFFFE0] =	vst v11;
	v5 =	vadd.f32 v10, v5;
	s16 =	sadd.s32 $0x200, s16  }
0x14c: {  	s5 =	sadd.s32 $0x8, s5;
	v10 =	vld [tilespmem:s16+$0xF0];
	[tilespmem:s11+$0x60] =	vst v12;
	v8 =	vadd.f32 v8, v1  }
0x14d: {  	p1 =	slt.u32 s5, $0xF8;
	v11 =	vld [tilespmem:s16+$0xFFFFFF00];
	[tilespmem:s11+$0xE0] =	vst v5;
	v5 =	vadd.f32 v9, v1  }
0x14e: {  	v9 =	vld [tilespmem:s16+$0xFFFFFF80];
	[tilespmem:s11+$0xFFFFFF70] =	vst v8;
	v8 =	vadd.f32 v7, v1  }
0x14f: {  	v7 =	vld [tilespmem:s16+$0x0];
	v12 =	vadd.f32 v2, v6;
	v3 =	vadd.f32 v3, v6;
	[tilespmem:s11+$0xFFFFFFF0] =	vst v5  }
0x150: {  	v4 =	vadd.f32 v4, v6;
	v5 =	vadd.f32 v0, v6;
	v0 =	vld [tilespmem:s16+$0x80];
	[tilespmem:s11+$0x70] =	vst v8;
	v1 =	vmov v13  }
0x151: {  	v6 =	vld [tilespmem:s15+$0xFFFFFFD0];
	v8 =	vadd.f32 v10, v1;
	[tilespmem:s11+$0xFFFFFF00] =	vst v12  }
0x152: {  	v10 =	vld [tilespmem:s16+$0xFFFFFF10];
	[tilespmem:s11+$0xFFFFFF80] =	vst v3;
	v2 =	vmov v11  }
0x153: {  	v11 =	vld [tilespmem:s16+$0xFFFFFF90];
	[tilespmem:s16+$0xF0] =	vst v8;
	v3 =	vmov v9  }
0x154: {  	v8 =	vld [tilespmem:s16+$0x10];
	[tilespmem:s11+$0x0] =	vst v4;
	v4 =	vmov v7  }
0x155: {  	v7 =	vld [tilespmem:s16+$0x90];
	[tilespmem:s11+$0x80] =	vst v5;
	s11 =	smov.u32 s16  }
0x156: {  	v5 =	vld [tilespmem:s15+$0xFFFFFFE0]  }
0x157: {  	v9 =	vadd.f32 v10, v6;
	v10 =	vld [tilespmem:s16+$0xFFFFFF20]  }
0x158: {  	v11 =	vadd.f32 v11, v6;
	v12 =	vld [tilespmem:s16+$0xFFFFFFA0]  }
0x159: {  	[tilespmem:s16+$0xFFFFFF10] =	vst v9;
	v8 =	vadd.f32 v8, v6;
	v9 =	vld [tilespmem:s16+$0x20]  }
0x15a: {  	[tilespmem:s16+$0xFFFFFF90] =	vst v11;
	v6 =	vadd.f32 v7, v6;
	v7 =	vld [tilespmem:s16+$0xA0]  }
0x15b: {  	[tilespmem:s16+$0x10] =	vst v8;
	v8 =	vld [tilespmem:s15+$0xFFFFFFF0]  }
0x15c: {  	[tilespmem:s16+$0x90] =	vst v6;
	v6 =	vadd.f32 v10, v5;
	v10 =	vld [tilespmem:s16+$0xFFFFFF30]  }
0x15d: {  	v11 =	vadd.f32 v12, v5;
	v12 =	vld [tilespmem:s16+$0xFFFFFFB0]  }
0x15e: {  	[tilespmem:s16+$0xFFFFFF20] =	vst v6;
	v6 =	vadd.f32 v9, v5;
	v9 =	vld [tilespmem:s16+$0x30]  }
0x15f: {  	[tilespmem:s16+$0xFFFFFFA0] =	vst v11;
	v5 =	vadd.f32 v7, v5;
	v7 =	vld [tilespmem:s16+$0xB0]  }
0x160: {  	[tilespmem:s16+$0x20] =	vst v6;
	v6 =	vld [tilespmem:s15+$0x0]  }
0x161: {  	[tilespmem:s16+$0xA0] =	vst v5;
	v5 =	vadd.f32 v10, v8;
	v10 =	vld [tilespmem:s16+$0xFFFFFF40]  }
0x162: {  	v11 =	vadd.f32 v12, v8;
	v12 =	vld [tilespmem:s16+$0xFFFFFFC0]  }
0x163: {  	[tilespmem:s16+$0xFFFFFF30] =	vst v5;
	v5 =	vadd.f32 v9, v8;
	v9 =	vld [tilespmem:s16+$0x40]  }
0x164: {  	[tilespmem:s16+$0xFFFFFFB0] =	vst v11;
	v7 =	vadd.f32 v7, v8;
	v8 =	vld [tilespmem:s16+$0xC0]  }
0x165: {  	[tilespmem:s16+$0x30] =	vst v5;
	v11 =	vld [tilespmem:s15+$0x10]  }
0x166: {  	[tilespmem:s16+$0xB0] =	vst v7;
	v5 =	vadd.f32 v10, v6;
	v7 =	vld [tilespmem:s16+$0xFFFFFF50]  }
0x167: {  	v10 =	vadd.f32 v12, v6;
	v12 =	vld [tilespmem:s16+$0xFFFFFFD0]  }
0x168: {  	[tilespmem:s16+$0xFFFFFF40] =	vst v5;
	v5 =	vadd.f32 v9, v6;
	v9 =	vld [tilespmem:s16+$0x50]  }
0x169: {  	[tilespmem:s16+$0xFFFFFFC0] =	vst v10;
	v6 =	vadd.f32 v8, v6;
	v8 =	vld [tilespmem:s16+$0xD0]  }
0x16a: {  	[tilespmem:s16+$0x40] =	vst v5;
	v5 =	vld [tilespmem:s15+$0x20]  }
0x16b: {  	[tilespmem:s16+$0xC0] =	vst v6;
	v6 =	vadd.f32 v7, v11;
	v7 =	vld [tilespmem:s16+$0xFFFFFF60]  }
0x16c: {  	v10 =	vadd.f32 v12, v11;
	v12 =	vld [tilespmem:s16+$0xFFFFFFE0]  }
0x16d: {  	[tilespmem:s16+$0xFFFFFF50] =	vst v6;
	v6 =	vadd.f32 v9, v11;
	v13 =	vld [tilespmem:s16+$0x60]  }
.Ltmp10:
0x16e: {  	[tilespmem:s16+$0xFFFFFFD0] =	vst v10;
	v9 =	vadd.f32 v8, v11;
	v10 =	vld [tilespmem:s16+$0xE0];
	(pc) =	sbr.rel @p1 .LBB2_23-.Ltmp10, $4  }
0x16f: {  	[tilespmem:s16+$0x50] =	vst v6;
	v8 =	vld [tilespmem:s16+$0xFFFFFF70]  }
0x170: {  	[tilespmem:s16+$0xD0] =	vst v9;
	v14 =	vadd.f32 v7, v5;
	v9 =	vld [tilespmem:s16+$0xFFFFFFF0]  }
0x171: {  	v11 =	vadd.f32 v12, v5;
	v7 =	vld [tilespmem:s16+$0x70]  }
0x172: {  	v6 =	vld [tilespmem:s15+$0xFFFFFFC0];
	[tilespmem:s16+$0xFFFFFF60] =	vst v14;
	v12 =	vadd.f32 v13, v5;
	s15 =	sadd.s32 $0x80, s15  }
0x173: {  	[tilespmem:s11+$0xFFFFFFE0] =	vst v11;
	v5 =	vadd.f32 v10, v5  }
0x174: {  	[tilespmem:s11+$0x60] =	vst v12;
	v8 =	vadd.f32 v8, v1  }
0x175: {  	[tilespmem:s11+$0xE0] =	vst v5;
	v61 =	vadd.f32 v9, v1  }
0x176: {  	[tilespmem:s11+$0xFFFFFF70] =	vst v8;
	v62 =	vadd.f32 v7, v1  }
0x177: {  	v2 =	vadd.f32 v2, v6;
	[tilespmem:s11+$0xFFFFFFF0] =	vst v61  }
0x178: {  	v3 =	vadd.f32 v3, v6;
	[tilespmem:s11+$0x70] =	vst v62  }
0x179: {  	v63 =	vadd.f32 v4, v6;
	[tilespmem:s11+$0xFFFFFF00] =	vst v2  }
0x17a: {  	v0 =	vadd.f32 v0, v6;
	[tilespmem:s11+$0xFFFFFF80] =	vst v3  }
0x17b: {  	s5 =	sadd.s32 s4, s10;
	s10 =	simm.s32 $0x8000;
	[tilespmem:s11+$0x0] =	vst v63  }
0x17c: {  	s15 =	simm.s32 $0x8200;
	s16 =	sadd.s32 $0x0, s5;
	[tilespmem:s11+$0x80] =	vst v0;
	s11 =	simm.s32 $0x80  }
.LBB2_25:
0x17d: {  	[hbm4b:s16+s12] =	stream.strided.scatter [tilespmem:s10], [sflag:$0xB], $0x200, s13, s12, $0x38;
	[tilespmem:$0x14000] =	vst v63  }
0x17e: {  	s16 =	smov.u32 s11;
	s10 =	smov.u32 s15;
	p1 =	sne.s32 s11, $0xF80  }
.Ltmp11:
0x17f: {  	s11 =	sadd.s32 $0x80, s11;
	(pc) =	sbr.rel @p1 .LBB2_25-.Ltmp11, $2  }
0x180: {  	_ =	sdelay $0x2  }
0x181: {  	s15 =	sadd.s32 $0x200, s15;
	s16 =	sadd.s32 s16, s5  }
.Ltmp12:
0x182: {  	(pc) =	sbr.rel @p0 .LBB2_30-.Ltmp12, $2  }
0x183: {  	_ =	sdelay $0x2  }
0x184: {  	[hbm4b:s16+s12] =	stream.strided.scatter [tilespmem:s10], [sflag:$0xB], $0x200, s13, s12, $0x38;
	[tilespmem:$0x14000] =	vst v63  }
0x185: {  	s1 =	sadd.s32 $0x5, s1  }
0x186: {  	s5 =	sadd.s32 s6, s1  }
0x187: {  	s1 =	sshll.u32 s1, $0x4;
	s5 =	sshll.u32 s5, $0x9  }
0x188: {  	s1 =	sand.u32 $0x50, s1;
	s5 =	sand.u32 $0x1FF000, s5  }
0x189: {  	_ =	swait.ge [sflag:s29], $0x4000;
	s10 =	simm.s32 $0x4000;
	s1 =	sor.u32 s1, s5  }
0x18a: {  	s11 =	simm.s32 $0x80;
	[sflag:s29] =	ssyncset.done $0x0;
	s5 =	sadd.s32 s2, s1  }
0x18b: {  	s15 =	simm.s32 $0x4200;
	[sflag:s29] =	ssyncadd.s32 $0xFFFFC000;
	s16 =	sadd.s32 $0x0, s5  }
.LBB2_28:
0x18c: {  	[tilespmem:s10], [sflag:$0x2] =	stream.strided.gather [hbm4b:s16+s12], $0x200, s13, s12, $0x38;
	[tilespmem:$0x14000] =	vst v63  }
0x18d: {  	s16 =	smov.u32 s11;
	s10 =	smov.u32 s15;
	p0 =	sne.s32 s11, $0xF80  }
.Ltmp13:
0x18e: {  	s11 =	sadd.s32 $0x80, s11;
	(pc) =	sbr.rel @p0 .LBB2_28-.Ltmp13, $2  }
0x18f: {  	_ =	sdelay $0x2  }
0x190: {  	s15 =	sadd.s32 $0x200, s15;
	s16 =	sadd.s32 s16, s5  }
0x191: {  	[tilespmem:s10], [sflag:$0x2] =	stream.strided.gather [hbm4b:s16+s12], $0x200, s13, s12, $0x38;
	[tilespmem:$0x14000] =	vst v63  }
0x192: {  	s1 =	sadd.s32 s3, s1;
	s5 =	simm.s32 $0x11000  }
0x193: {  	[tilespmem:s5], [sflag:$0x6] =	stream.strided.gather [hbm4b:s1+s12], $0x1000, s14, s12, $0x38;
	[tilespmem:$0x14000] =	vst v63  }
.LBB2_30:
0x194: {  	_ =	swait.ge [sflag:s25], $0x4000  }
0x195: {  	[sflag:s25] =	ssyncset.done $0x0  }
0x196: {  	[sflag:s25] =	ssyncadd.s32 $0xFFFFC000  }
0x197: {  	_ =	swait.ge [sflag:s26], $0x1000  }
0x198: {  	[sflag:s26] =	ssyncset.done $0x0  }
0x199: {  	s10 =	simm.s32 $0x13040;
	[sflag:s26] =	ssyncadd.s32 $0xFFFFF000  }
0x19a: {  	s1 =	simm.s32 $0xC100;
	v1 =	vld [tilespmem:s10+$0x30]  }
0x19b: {  	v5 =	vld [tilespmem:s1+$0xF0]  }
0x19c: {  	v2 =	vld [tilespmem:s1+$0xFFFFFF00]  }
0x19d: {  	v3 =	vld [tilespmem:s1+$0xFFFFFF80]  }
0x19e: {  	v4 =	vld [tilespmem:s1+$0x0]  }
0x19f: {  	v0 =	vld [tilespmem:s1+$0x80]  }
0x1a0: {  	v6 =	vld [tilespmem:s10+$0xFFFFFFD0]  }
0x1a1: {  	v7 =	vld [tilespmem:s1+$0xFFFFFF10]  }
0x1a2: {  	v8 =	vld [tilespmem:s1+$0xFFFFFF90]  }
0x1a3: {  	v9 =	vld [tilespmem:s1+$0x10]  }
0x1a4: {  	v10 =	vld [tilespmem:s1+$0x90]  }
0x1a5: {  	v11 =	vld [tilespmem:s10+$0xFFFFFFE0]  }
0x1a6: {  	v12 =	vld [tilespmem:s1+$0xFFFFFF20]  }
0x1a7: {  	v13 =	vld [tilespmem:s1+$0xFFFFFFA0]  }
0x1a8: {  	v14 =	vld [tilespmem:s1+$0x20]  }
0x1a9: {  	v15 =	vld [tilespmem:s1+$0xA0]  }
0x1aa: {  	v16 =	vld [tilespmem:s10+$0xFFFFFFF0];
	v5 =	vadd.f32 v5, v1  }
0x1ab: {  	v17 =	vld [tilespmem:s1+$0xFFFFFF30];
	v7 =	vadd.f32 v7, v6  }
0x1ac: {  	[tilespmem:s1+$0xF0] =	vst v5;
	v5 =	vadd.f32 v8, v6;
	v8 =	vld [tilespmem:s1+$0xFFFFFFB0]  }
0x1ad: {  	[tilespmem:s1+$0xFFFFFF10] =	vst v7;
	v7 =	vadd.f32 v9, v6;
	v9 =	vld [tilespmem:s1+$0x30]  }
0x1ae: {  	[tilespmem:s1+$0xFFFFFF90] =	vst v5;
	v5 =	vadd.f32 v10, v6;
	v6 =	vld [tilespmem:s1+$0xB0]  }
0x1af: {  	[tilespmem:s1+$0x10] =	vst v7;
	v7 =	vadd.f32 v12, v11;
	v10 =	vld [tilespmem:s10+$0x0]  }
0x1b0: {  	v12 =	vld [tilespmem:s1+$0xFFFFFF40];
	[tilespmem:s1+$0x90] =	vst v5;
	v5 =	vadd.f32 v13, v11  }
0x1b1: {  	[tilespmem:s1+$0xFFFFFF20] =	vst v7;
	v7 =	vadd.f32 v14, v11;
	v13 =	vld [tilespmem:s1+$0xFFFFFFC0]  }
0x1b2: {  	v14 =	vld [tilespmem:s1+$0xC0];
	[tilespmem:s1+$0xFFFFFFA0] =	vst v5;
	v5 =	vadd.f32 v15, v11  }
0x1b3: {  	v11 =	vld [tilespmem:s1+$0x40];
	[tilespmem:s1+$0x20] =	vst v7;
	v7 =	vadd.f32 v17, v16  }
0x1b4: {  	v15 =	vld [tilespmem:s1+$0xD0];
	[tilespmem:s1+$0xA0] =	vst v5;
	v5 =	vadd.f32 v8, v16  }
0x1b5: {  	v8 =	vld [tilespmem:s10+$0x10];
	[tilespmem:s1+$0xFFFFFF30] =	vst v7;
	v7 =	vadd.f32 v9, v16  }
0x1b6: {  	v9 =	vld [tilespmem:s1+$0xFFFFFF50];
	[tilespmem:s1+$0xFFFFFFB0] =	vst v5;
	v5 =	vadd.f32 v6, v16  }
0x1b7: {  	v6 =	vld [tilespmem:s1+$0xFFFFFFD0];
	[tilespmem:s1+$0x30] =	vst v7;
	v7 =	vadd.f32 v12, v10  }
0x1b8: {  	v13 =	vadd.f32 v13, v10;
	v12 =	vld [tilespmem:s1+$0x50];
	[tilespmem:s1+$0xB0] =	vst v5  }
0x1b9: {  	[tilespmem:s1+$0xFFFFFF40] =	vst v7;
	v7 =	vadd.f32 v11, v10;
	v5 =	vld [tilespmem:s10+$0x20]  }
0x1ba: {  	[tilespmem:s1+$0xFFFFFFC0] =	vst v13;
	v10 =	vadd.f32 v14, v10;
	v11 =	vld [tilespmem:s1+$0xFFFFFF60]  }
0x1bb: {  	v13 =	vld [tilespmem:s1+$0xFFFFFFE0];
	[tilespmem:s1+$0x40] =	vst v7;
	v7 =	vadd.f32 v9, v8  }
0x1bc: {  	v14 =	vld [tilespmem:s1+$0x60];
	[tilespmem:s1+$0xC0] =	vst v10;
	v6 =	vadd.f32 v6, v8  }
0x1bd: {  	v10 =	vld [tilespmem:s1+$0xE0];
	[tilespmem:s1+$0xFFFFFF50] =	vst v7;
	v7 =	vadd.f32 v12, v8  }
0x1be: {  	[tilespmem:s1+$0xFFFFFFD0] =	vst v6;
	v6 =	vadd.f32 v15, v8;
	v8 =	vld [tilespmem:s1+$0xFFFFFF70]  }
0x1bf: {  	v9 =	vld [tilespmem:s1+$0xFFFFFFF0];
	v12 =	vadd.f32 v11, v5;
	[tilespmem:s1+$0x50] =	vst v7  }
0x1c0: {  	v11 =	vadd.f32 v13, v5;
	v7 =	vld [tilespmem:s1+$0x70];
	[tilespmem:s1+$0xD0] =	vst v6  }
0x1c1: {  	s5 =	simm.s32 $0x0;
	s11 =	simm.s32 $0xC100;
	v6 =	vld [tilespmem:s10+$0xFFFFFFC0];
	[tilespmem:s1+$0xFFFFFF60] =	vst v12;
	v12 =	vadd.f32 v14, v5;
	s10 =	simm.s32 $0x130C0  }
.LBB2_31:
0x1c2: {  	v13 =	vld [tilespmem:s10+$0x30];
	[tilespmem:s1+$0xFFFFFFE0] =	vst v11;
	v5 =	vadd.f32 v10, v5;
	s11 =	sadd.s32 $0x200, s11  }
0x1c3: {  	s5 =	sadd.s32 $0x8, s5;
	v10 =	vld [tilespmem:s11+$0xF0];
	[tilespmem:s1+$0x60] =	vst v12;
	v8 =	vadd.f32 v8, v1  }
0x1c4: {  	p0 =	slt.u32 s5, $0xF8;
	v11 =	vld [tilespmem:s11+$0xFFFFFF00];
	[tilespmem:s1+$0xE0] =	vst v5;
	v5 =	vadd.f32 v9, v1  }
0x1c5: {  	v9 =	vld [tilespmem:s11+$0xFFFFFF80];
	[tilespmem:s1+$0xFFFFFF70] =	vst v8;
	v8 =	vadd.f32 v7, v1  }
0x1c6: {  	v7 =	vld [tilespmem:s11+$0x0];
	v12 =	vadd.f32 v2, v6;
	v3 =	vadd.f32 v3, v6;
	[tilespmem:s1+$0xFFFFFFF0] =	vst v5  }
0x1c7: {  	v4 =	vadd.f32 v4, v6;
	v5 =	vadd.f32 v0, v6;
	v0 =	vld [tilespmem:s11+$0x80];
	[tilespmem:s1+$0x70] =	vst v8;
	v1 =	vmov v13  }
0x1c8: {  	v6 =	vld [tilespmem:s10+$0xFFFFFFD0];
	v8 =	vadd.f32 v10, v1;
	[tilespmem:s1+$0xFFFFFF00] =	vst v12  }
0x1c9: {  	v10 =	vld [tilespmem:s11+$0xFFFFFF10];
	[tilespmem:s1+$0xFFFFFF80] =	vst v3;
	v2 =	vmov v11  }
0x1ca: {  	v11 =	vld [tilespmem:s11+$0xFFFFFF90];
	[tilespmem:s11+$0xF0] =	vst v8;
	v3 =	vmov v9  }
0x1cb: {  	v8 =	vld [tilespmem:s11+$0x10];
	[tilespmem:s1+$0x0] =	vst v4;
	v4 =	vmov v7  }
0x1cc: {  	v7 =	vld [tilespmem:s11+$0x90];
	[tilespmem:s1+$0x80] =	vst v5;
	s1 =	smov.u32 s11  }
0x1cd: {  	v5 =	vld [tilespmem:s10+$0xFFFFFFE0]  }
0x1ce: {  	v9 =	vadd.f32 v10, v6;
	v10 =	vld [tilespmem:s11+$0xFFFFFF20]  }
0x1cf: {  	v11 =	vadd.f32 v11, v6;
	v12 =	vld [tilespmem:s11+$0xFFFFFFA0]  }
0x1d0: {  	[tilespmem:s11+$0xFFFFFF10] =	vst v9;
	v8 =	vadd.f32 v8, v6;
	v9 =	vld [tilespmem:s11+$0x20]  }
0x1d1: {  	[tilespmem:s11+$0xFFFFFF90] =	vst v11;
	v6 =	vadd.f32 v7, v6;
	v7 =	vld [tilespmem:s11+$0xA0]  }
0x1d2: {  	[tilespmem:s11+$0x10] =	vst v8;
	v8 =	vld [tilespmem:s10+$0xFFFFFFF0]  }
0x1d3: {  	[tilespmem:s11+$0x90] =	vst v6;
	v6 =	vadd.f32 v10, v5;
	v10 =	vld [tilespmem:s11+$0xFFFFFF30]  }
0x1d4: {  	v11 =	vadd.f32 v12, v5;
	v12 =	vld [tilespmem:s11+$0xFFFFFFB0]  }
0x1d5: {  	[tilespmem:s11+$0xFFFFFF20] =	vst v6;
	v6 =	vadd.f32 v9, v5;
	v9 =	vld [tilespmem:s11+$0x30]  }
0x1d6: {  	[tilespmem:s11+$0xFFFFFFA0] =	vst v11;
	v5 =	vadd.f32 v7, v5;
	v7 =	vld [tilespmem:s11+$0xB0]  }
0x1d7: {  	[tilespmem:s11+$0x20] =	vst v6;
	v6 =	vld [tilespmem:s10+$0x0]  }
0x1d8: {  	[tilespmem:s11+$0xA0] =	vst v5;
	v5 =	vadd.f32 v10, v8;
	v10 =	vld [tilespmem:s11+$0xFFFFFF40]  }
0x1d9: {  	v11 =	vadd.f32 v12, v8;
	v12 =	vld [tilespmem:s11+$0xFFFFFFC0]  }
0x1da: {  	[tilespmem:s11+$0xFFFFFF30] =	vst v5;
	v5 =	vadd.f32 v9, v8;
	v9 =	vld [tilespmem:s11+$0x40]  }
0x1db: {  	[tilespmem:s11+$0xFFFFFFB0] =	vst v11;
	v7 =	vadd.f32 v7, v8;
	v8 =	vld [tilespmem:s11+$0xC0]  }
0x1dc: {  	[tilespmem:s11+$0x30] =	vst v5;
	v11 =	vld [tilespmem:s10+$0x10]  }
0x1dd: {  	[tilespmem:s11+$0xB0] =	vst v7;
	v5 =	vadd.f32 v10, v6;
	v7 =	vld [tilespmem:s11+$0xFFFFFF50]  }
0x1de: {  	v10 =	vadd.f32 v12, v6;
	v12 =	vld [tilespmem:s11+$0xFFFFFFD0]  }
0x1df: {  	[tilespmem:s11+$0xFFFFFF40] =	vst v5;
	v5 =	vadd.f32 v9, v6;
	v9 =	vld [tilespmem:s11+$0x50]  }
0x1e0: {  	[tilespmem:s11+$0xFFFFFFC0] =	vst v10;
	v6 =	vadd.f32 v8, v6;
	v8 =	vld [tilespmem:s11+$0xD0]  }
0x1e1: {  	[tilespmem:s11+$0x40] =	vst v5;
	v5 =	vld [tilespmem:s10+$0x20]  }
0x1e2: {  	[tilespmem:s11+$0xC0] =	vst v6;
	v6 =	vadd.f32 v7, v11;
	v7 =	vld [tilespmem:s11+$0xFFFFFF60]  }
0x1e3: {  	v10 =	vadd.f32 v12, v11;
	v12 =	vld [tilespmem:s11+$0xFFFFFFE0]  }
0x1e4: {  	[tilespmem:s11+$0xFFFFFF50] =	vst v6;
	v6 =	vadd.f32 v9, v11;
	v13 =	vld [tilespmem:s11+$0x60]  }
.Ltmp14:
0x1e5: {  	[tilespmem:s11+$0xFFFFFFD0] =	vst v10;
	v9 =	vadd.f32 v8, v11;
	v10 =	vld [tilespmem:s11+$0xE0];
	(pc) =	sbr.rel @p0 .LBB2_31-.Ltmp14, $4  }
0x1e6: {  	[tilespmem:s11+$0x50] =	vst v6;
	v8 =	vld [tilespmem:s11+$0xFFFFFF70]  }
0x1e7: {  	[tilespmem:s11+$0xD0] =	vst v9;
	v14 =	vadd.f32 v7, v5;
	v9 =	vld [tilespmem:s11+$0xFFFFFFF0]  }
0x1e8: {  	v11 =	vadd.f32 v12, v5;
	v7 =	vld [tilespmem:s11+$0x70]  }
0x1e9: {  	v6 =	vld [tilespmem:s10+$0xFFFFFFC0];
	[tilespmem:s11+$0xFFFFFF60] =	vst v14;
	v12 =	vadd.f32 v13, v5;
	s10 =	sadd.s32 $0x80, s10  }
0x1ea: {  	[tilespmem:s1+$0xFFFFFFE0] =	vst v11;
	v5 =	vadd.f32 v10, v5  }
0x1eb: {  	[tilespmem:s1+$0x60] =	vst v12;
	v8 =	vadd.f32 v8, v1  }
0x1ec: {  	[tilespmem:s1+$0xE0] =	vst v5;
	v61 =	vadd.f32 v9, v1  }
0x1ed: {  	[tilespmem:s1+$0xFFFFFF70] =	vst v8;
	v62 =	vadd.f32 v7, v1  }
0x1ee: {  	v2 =	vadd.f32 v2, v6;
	[tilespmem:s1+$0xFFFFFFF0] =	vst v61  }
0x1ef: {  	v3 =	vadd.f32 v3, v6;
	[tilespmem:s1+$0x70] =	vst v62  }
0x1f0: {  	v63 =	vadd.f32 v4, v6;
	[tilespmem:s1+$0xFFFFFF00] =	vst v2  }
0x1f1: {  	v0 =	vadd.f32 v0, v6;
	[tilespmem:s1+$0xFFFFFF80] =	vst v3  }
0x1f2: {  	s5 =	sadd.s32 s4, s8;
	s8 =	simm.s32 $0xC000;
	[tilespmem:s1+$0x0] =	vst v63  }
0x1f3: {  	s10 =	simm.s32 $0xC200;
	s11 =	sadd.s32 $0x0, s5;
	[tilespmem:s1+$0x80] =	vst v0;
	s1 =	simm.s32 $0x80  }
.LBB2_33:
0x1f4: {  	[hbm4b:s11+s12] =	stream.strided.scatter [tilespmem:s8], [sflag:$0xC], $0x200, s13, s12, $0x38;
	[tilespmem:$0x14000] =	vst v63  }
0x1f5: {  	s11 =	smov.u32 s1;
	s8 =	smov.u32 s10;
	p0 =	sne.s32 s1, $0xF80  }
.Ltmp15:
0x1f6: {  	s1 =	sadd.s32 $0x80, s1;
	(pc) =	sbr.rel @p0 .LBB2_33-.Ltmp15, $2  }
0x1f7: {  	_ =	sdelay $0x2  }
0x1f8: {  	s10 =	sadd.s32 $0x200, s10;
	s11 =	sadd.s32 s11, s5  }
0x1f9: {  	s0 =	sadd.s32 $0x1, s0  }
0x1fa: {  	p0 =	sne.s32 s0, $0x10  }
.Ltmp16:
0x1fb: {  	_ = 	snop;
	(pc) =	sbr.rel @p0 .LBB2_6-.Ltmp16, $2  }
0x1fc: {  	_ =	sdelay $0x2  }
0x1fd: {  	[hbm4b:s11+s12] =	stream.strided.scatter [tilespmem:s8], [sflag:$0xC], $0x200, s13, s12, $0x38;
	[tilespmem:$0x14000] =	vst v63  }
0x1fe: {  	_ =	swait.ge [sflag:s28], $0x4000  }
0x1ff: {  	[sflag:s28] =	ssyncset.done $0x0  }
0x200: {  	[sflag:s28] =	ssyncadd.s32 $0xFFFFC000  }
0x201: {  	_ =	swait.ge [sflag:s29], $0x4000  }
0x202: {  	[sflag:s29] =	ssyncset.done $0x0  }
0x203: {  	s0 =	simm.s32 $0xB;
	[sflag:s29] =	ssyncadd.s32 $0xFFFFC000  }
0x204: {  	_ =	swait.ge [sflag:s0], $0x4000  }
0x205: {  	[sflag:s0] =	ssyncset.done $0x0  }
0x206: {  	s1 =	simm.s32 $0xC;
	[sflag:s0] =	ssyncadd.s32 $0xFFFFC000  }
0x207: {  	_ =	swait.ge [sflag:s1], $0x4000  }
0x208: {  	s8 =	rddreg [dreg:$0x4]  }
0x209: {  	s31 =	rddreg [dreg:$0x7];
	s8 =	sadd.s32 $0x1, s8  }
0x20a: {  	p0 =	sne.s32 s8, s31  }
.Ltmp17:
0x20b: {  	_ = 	snop;
	(pc) =	sbr.rel @p0 .LBB2_1-.Ltmp17, $3  }
0x20c: {  	_ =	sdelay $0x1  }
0x20d: {  	[sflag:s1] =	ssyncset.done $0x0  }
0x20e: {  	[sflag:s1] =	ssyncadd.s32 $0xFFFFC000  }
0x20f: {  	_ =	sfence.sel $0x180000  }
0x210: {  	[bflag:$0x0] =	sbarrier.arrive $0xFFFF  }
0x211: {  	_ =	strace $0x90000047  }
0x212: {  	s0 =	stileid.u32;
	[bflag:$0x2] =	sbarrier.arrive $0xFFFF  }
0x213: {  	p0 =	sne.s32 s0, $0x0;
	s0 =	rddreg [dreg:$0x3]  }
0x214: {  	s0 =	sadd.s32 @!p0 $0x100000, s0  }
0x215: {  	[sflag:s0] =	ssyncadd.tile.s32 @!p0 $0x1;
	_ =	shalt  }
.Lfunc_end2:
_tile_overlayer_lowered:
.L_overlay_start_2:
0x216: {  	(tag) =	ssettag $0x2  }
0x217: {  	s0 =	rddreg [dreg:$0x0];
	s2 =	stileid.u32  }
0x218: {  	s1 =	rddreg [dreg:$0x1];
	p0 =	sne.s32 s2, $0x0  }
0x219: {  	s3 =	rddreg [dreg:$0x2];
	[bflag:$0x3] =	sbarrier.arrive $0xFFFF;
	s2 =	simm.s32 @!p0 $0x1C0D  }
0x21a: {  	[timem:s3], [sflag:s2] =	dma.local @!p0 [hbm:s0], s1  }
0x21b: {  	s0 =	simm.s32 @!p0 $0xD  }
0x21c: {  	_ =	swait.ge @!p0 [sflag:s0], s1  }
0x21d: {  	s1 =	ssub.s32 @!p0 $0x0, s1;
	[sflag:s0] =	ssyncset.done @!p0 $0x0  }
0x21e: {  	[sflag:s0] =	ssyncadd.s32 @!p0 s1  }
0x21f: {  	[bflag:$0x3] =	sbarrier.arrive $0xFFFF  }
0x220: {  	_ =	shalt  }

</sc_bundles>
